<compile_context>
chip_gen: v7x
topology: tpu7x:2x2x1
jax: 0.10.2.dev20260603
libtpu: 0.0.44.dev20260713+nightly
codegen_flags: <defaults>
</compile_context>

<pallas_src>
import functools

import jax
import jax.numpy as jnp
from jax import lax
from jax.experimental import pallas as pl
from jax.experimental.pallas import tpu as pltpu
from jax.experimental.pallas import tpu_sc as plsc

N = 10000
E = 320000
D = 128
H = D // 2
NC, NS, L = 2, 16, 16

CK = 128
CH = 157
EPT = CH * CK
EPAD = NS * EPT
SINK = N
ACCR = N + 16
HSIZE = 10240
HSTRIDE = HSIZE // NS

_mesh = plsc.VectorSubcoreMesh(
    core_axis_name="c", subcore_axis_name="s", num_cores=NC, num_subcores=NS)
_sc_params = pltpu.CompilerParams(
    needs_layout_passes=False, use_tc_tiling_on_sc=False)


@functools.partial(
    pl.kernel,
    out_type=jax.ShapeDtypeStruct((HSIZE,), jnp.float32),
    mesh=_mesh,
    scratch_types=[
        pltpu.VMEM((CH, CK), jnp.int32),
        pltpu.VMEM((HSIZE,), jnp.float32),
        pltpu.VMEM((HSTRIDE,), jnp.float32),
        pltpu.VMEM((HSTRIDE,), jnp.float32),
        pltpu.VMEM_SHARED((NS, HSIZE), jnp.float32),
        pltpu.SemaphoreType.DMA,
    ],
    compiler_params=_sc_params,
)
def _deg_kernel(dst_hbm, deg_hbm, dst_v, hist, slab, red, shared, sem):
    c = lax.axis_index("c")
    s = lax.axis_index("s")

    @pl.when(c == 0)
    def _():
        pltpu.sync_copy(dst_hbm.at[s], dst_v)
        zeros = jnp.zeros((L,), jnp.float32)
        ones = jnp.ones((L,), jnp.float32)

        def zero_body(i, _):
            hist[pl.ds(pl.multiple_of(i * L, L), L)] = zeros
            return 0
        lax.fori_loop(0, HSIZE // L, zero_body, 0)

        def chunk_body(j, _):
            for v in range(CK // L):
                idx = dst_v[j, pl.ds(v * L, L)]
                plsc.addupdate_scatter(hist, [idx], ones)
            return 0
        lax.fori_loop(0, CH, chunk_body, 0)

        pltpu.sync_copy(hist, shared.at[s])
        plsc.subcore_barrier()

        base = pl.multiple_of(s * HSTRIDE, HSTRIDE)

        def add_body(i, _):
            o = pl.ds(pl.multiple_of(i * L, L), L)
            red[o] = red[o] + slab[o]
            return 0

        def cp_body(i, _):
            o = pl.ds(pl.multiple_of(i * L, L), L)
            red[o] = slab[o]
            return 0

        for t in range(NS):
            pltpu.sync_copy(shared.at[t, pl.ds(base, HSTRIDE)], slab)
            lax.fori_loop(0, HSTRIDE // L, cp_body if t == 0 else add_body, 0)

        pltpu.sync_copy(red, deg_hbm.at[pl.ds(base, HSTRIDE)])


def _agg_core(t_ref, out_ref, s, src_v, dst_v, gbuf, acc, sem):
    rows = N // NS
    rbase = s * rows
    pltpu.sync_copy(t_ref.at[pl.ds(rbase, rows)], acc.at[pl.ds(rbase, rows)])
    plsc.subcore_barrier()

    def chunk_body(j, _):
        pltpu.async_copy(t_ref.at[src_v.at[j]], gbuf, sem).wait()
        pltpu.sync_copy(gbuf, acc.at[dst_v.at[j]], add=True)
        return 0
    lax.fori_loop(0, CH, chunk_body, 0)

    plsc.subcore_barrier()
    pltpu.sync_copy(acc.at[pl.ds(rbase, rows)], out_ref.at[pl.ds(rbase, rows)])


@functools.partial(
    pl.kernel,
    out_type=(jax.ShapeDtypeStruct((N, H), jnp.float32),
              jax.ShapeDtypeStruct((N, H), jnp.float32)),
    mesh=_mesh,
    scratch_types=[
        pltpu.VMEM((CH, CK), jnp.int32),
        pltpu.VMEM((CH, CK), jnp.int32),
        pltpu.VMEM((CK, H), jnp.float32),
        pltpu.VMEM_SHARED((ACCR, H), jnp.float32),
        pltpu.SemaphoreType.DMA,
    ],
    compiler_params=_sc_params,
)
def _agg_kernel(ta_hbm, tb_hbm, src_hbm, dst_hbm,
                outa, outb, src_v, dst_v, gbuf, acc, sem):
    c = lax.axis_index("c")
    s = lax.axis_index("s")
    pltpu.sync_copy(src_hbm.at[s], src_v)
    pltpu.sync_copy(dst_hbm.at[s], dst_v)

    @pl.when(c == 0)
    def _():
        _agg_core(ta_hbm, outa, s, src_v, dst_v, gbuf, acc, sem)

    @pl.when(c == 1)
    def _():
        _agg_core(tb_hbm, outb, s, src_v, dst_v, gbuf, acc, sem)


def _mm1_body(x_ref, w_ref, deg_ref, ta_ref, tb_ref):
    dis = lax.rsqrt(deg_ref[...][:N] + 1.0)
    t = jnp.dot(x_ref[...], w_ref[...],
                preferred_element_type=jnp.float32) * dis
    ta_ref[...] = t[:, :H]
    tb_ref[...] = t[:, H:]


def _mid_body(aa_ref, ab_ref, deg_ref, b_ref, w_ref, ta_ref, tb_ref):
    dis = lax.rsqrt(deg_ref[...][:N] + 1.0)
    h = jnp.concatenate([aa_ref[...], ab_ref[...]], axis=1) * dis + b_ref[...]
    h = jnp.maximum(h, 0.0)
    t = jnp.dot(h, w_ref[...], preferred_element_type=jnp.float32) * dis
    ta_ref[...] = t[:, :H]
    tb_ref[...] = t[:, H:]


def _post_body(aa_ref, ab_ref, deg_ref, b_ref, o_ref):
    dis = lax.rsqrt(deg_ref[...][:N] + 1.0)
    o_ref[...] = (jnp.concatenate([aa_ref[...], ab_ref[...]], axis=1) * dis
                  + b_ref[...])


_half_pair = [jax.ShapeDtypeStruct((N, H), jnp.float32),
              jax.ShapeDtypeStruct((N, H), jnp.float32)]
_mm1 = pl.pallas_call(_mm1_body, out_shape=_half_pair)
_mid = pl.pallas_call(_mid_body, out_shape=_half_pair)
_post = pl.pallas_call(
    _post_body, out_shape=jax.ShapeDtypeStruct((N, D), jnp.float32))


def kernel(x, edge_index, W1, b1, W2, b2):
    src = edge_index[0].astype(jnp.int32)
    dst = edge_index[1].astype(jnp.int32)
    pad = EPAD - E
    srcp = jnp.concatenate(
        [src, jnp.zeros((pad,), jnp.int32)]).reshape(NS, CH, CK)
    dstp = jnp.concatenate(
        [dst, jnp.full((pad,), SINK, jnp.int32)]).reshape(NS, CH, CK)

    deg = _deg_kernel(dstp).reshape(HSIZE, 1)
    b1r = b1.reshape(1, D)
    b2r = b2.reshape(1, D)

    t1a, t1b = _mm1(x, W1, deg)
    a1a, a1b = _agg_kernel(t1a, t1b, srcp, dstp)
    t2a, t2b = _mid(a1a, a1b, deg, b1r, W2)
    a2a, a2b = _agg_kernel(t2a, t2b, srcp, dstp)
    return _post(a2a, a2b, deg, b2r)

# --- scband reference (transcript-rebuilt; emitter-appended) ---
"""Pipeline reference for scband-gcn-8572754723374 (READ-ONLY COPY).

The authoritative reference and input builder live on the scoring server;
editing this copy changes nothing except your own understanding.
"""

import jax, jax.numpy as jnp
import numpy as np

N_NODES = 10000
N_EDGES = 320000
D = 128


def setup_inputs(seed: int = 0) -> dict:
    key = jax.random.key(seed)
    k_x, k_e, k_w1, k_b1, k_w2, k_b2 = jax.random.split(key, 6)
    x = jax.random.normal(k_x, (N_NODES, D), dtype=jnp.float32)
    edge_index = jax.random.randint(k_e, (2, N_EDGES), 0, N_NODES, dtype=jnp.int64)
    # GCNConv params: glorot-style weight [in, out], zero bias
    s1 = 1.0 / np.sqrt(D)
    W1 = jax.random.uniform(k_w1, (D, D), dtype=jnp.float32, minval=-s1, maxval=s1)
    b1 = jnp.zeros((D,), dtype=jnp.float32)
    W2 = jax.random.uniform(k_w2, (D, D), dtype=jnp.float32, minval=-s1, maxval=s1)
    b2 = jnp.zeros((D,), dtype=jnp.float32)
    return {"x": x, "edge_index": edge_index, "W1": W1, "b1": b1, "W2": W2, "b2": b2}


def _gcn_conv(x, src, dst, W, b, num_nodes):
    # linear transform
    xw = x @ W
    # symmetric normalization with self-loops (already appended to src/dst)
    deg = jnp.zeros((num_nodes,), dtype=xw.dtype).at[dst].add(1.0)
    deg_inv_sqrt = jnp.where(deg > 0, jax.lax.rsqrt(deg), 0.0)
    norm = deg_inv_sqrt[src] * deg_inv_sqrt[dst]
    # message = norm * x_j ; aggregate = scatter-add by dst
    msgs = xw[src] * norm[:, None]
    out = jnp.zeros((num_nodes, xw.shape[1]), dtype=xw.dtype).at[dst].add(msgs)
    return out + b


def reference(x, edge_index, W1, b1, W2, b2):
    num_nodes = x.shape[0]
    loops = jnp.arange(num_nodes, dtype=edge_index.dtype)
    src = jnp.concatenate([edge_index[0], loops])
    dst = jnp.concatenate([edge_index[1], loops])
    h = _gcn_conv(x, src, dst, W1, b1, num_nodes)
    h = jax.nn.relu(h)
    # F.dropout with training=self.training -> identity in eval mode
    h = _gcn_conv(h, src, dst, W2, b2, num_nodes)
    return h

if __name__ == "__main__":
    import jax
    _d = setup_inputs()
    print(jax.jit(kernel)(*tuple(_d.values())))

</pallas_src>

<mosaic_0001>
#map = affine_map<(d0, d1) -> (0, 0, 0)>
#map1 = affine_map<(d0, d1) -> (0)>
module attributes {stable_mosaic.version = 14 : i64} {
  func.func @_deg_kernel(%arg0: i32, %arg1: i32, %arg2: memref<16x157x128xi32, #tpu.memory_space<hbm>>, %arg3: memref<10240xf32, #tpu.memory_space<hbm>>, %arg4: memref<157x128xi32, #tpu.memory_space<vmem>>, %arg5: memref<10240xf32, #tpu.memory_space<vmem>>, %arg6: memref<640xf32, #tpu.memory_space<vmem>>, %arg7: memref<640xf32, #tpu.memory_space<vmem>>, %arg8: memref<16x10240xf32, #tpu.memory_space<vmem_shared>>, %arg9: memref<!tpu.dma_semaphore, #tpu.memory_space<semaphore_mem>>) attributes {dimension_semantics = [#tpu.dimension_semantics<core_parallel>, #tpu.dimension_semantics<subcore_parallel>], iteration_bounds = array<i64: 2, 16>, scalar_prefetch = 0 : i64, scratch_operands = 6 : i64, tpu.core_type = #tpu.core_type<sc_vector_subcore>, window_params = [{transform_indices = #map}, {transform_indices = #map1}]} {
    %eq3A = arith.constant 0 : i32
    %eq3A_0 = arith.cmpi eq, %arg0, %eq3A : i32
    %convert_element_type3A = arith.extui %eq3A_0 : i1 to i32
    %cond3A = arith.constant 0 : i32
    %cond3A_1 = arith.cmpi ne, %convert_element_type3A, %cond3A : i32
    scf.if %cond3A_1 {
      "tpu.region"() ({
        %run_scoped3A_146 = tpu.sem_alloc : memref<!tpu.dma_semaphore, #tpu.memory_space<semaphore_mem>>
        %dma_start3A = arith.constant 0 : i32
        %dma_start3A_147 = arith.constant 0 : i32
        %dma_start3A_148 = tpu.memref_slice %arg2[%arg1, %dma_start3A, %dma_start3A_147] : memref<16x157x128xi32, #tpu.memory_space<hbm>> -> memref<1x157x128xi32, #tpu.memory_space<hbm>>
        %dma_start3A_149 = tpu.memref_squeeze %dma_start3A_148 : memref<1x157x128xi32, #tpu.memory_space<hbm>> -> memref<157x128xi32, #tpu.memory_space<hbm>>
        %dma_start3A_150 = arith.constant 0 : i32
        %dma_start3A_151 = arith.constant 0 : i32
        %dma_start3A_152 = tpu.memref_slice %arg2[%arg1, %dma_start3A_150, %dma_start3A_151] : memref<16x157x128xi32, #tpu.memory_space<hbm>> -> memref<1x157x128xi32, #tpu.memory_space<hbm>>
        %dma_start3A_153 = tpu.memref_squeeze %dma_start3A_152 : memref<1x157x128xi32, #tpu.memory_space<hbm>> -> memref<157x128xi32, #tpu.memory_space<hbm>>
        tpu.enqueue_dma source(%dma_start3A_153 : memref<157x128xi32, #tpu.memory_space<hbm>>) target(%arg4 : memref<157x128xi32, #tpu.memory_space<vmem>>) target_semaphore(%run_scoped3A_146 : memref<!tpu.dma_semaphore, #tpu.memory_space<semaphore_mem>>)
        %dma_wait3A = arith.constant 0 : i32
        %dma_wait3A_154 = arith.constant 0 : i32
        %dma_wait3A_155 = tpu.memref_slice %arg2[%arg1, %dma_wait3A, %dma_wait3A_154] : memref<16x157x128xi32, #tpu.memory_space<hbm>> -> memref<1x157x128xi32, #tpu.memory_space<hbm>>
        %dma_wait3A_156 = tpu.memref_squeeze %dma_wait3A_155 : memref<1x157x128xi32, #tpu.memory_space<hbm>> -> memref<157x128xi32, #tpu.memory_space<hbm>>
        %dma_wait3A_157 = arith.constant 0 : i32
        %dma_wait3A_158 = arith.constant 0 : i32
        %dma_wait3A_159 = tpu.memref_slice %arg2[%arg1, %dma_wait3A_157, %dma_wait3A_158] : memref<16x157x128xi32, #tpu.memory_space<hbm>> -> memref<1x157x128xi32, #tpu.memory_space<hbm>>
        %dma_wait3A_160 = tpu.memref_squeeze %dma_wait3A_159 : memref<1x157x128xi32, #tpu.memory_space<hbm>> -> memref<157x128xi32, #tpu.memory_space<hbm>>
        tpu.wait_dma2 semaphore(%run_scoped3A_146 : memref<!tpu.dma_semaphore, #tpu.memory_space<semaphore_mem>>) src(%dma_wait3A_160 : memref<157x128xi32, #tpu.memory_space<hbm>>) dst(%arg4 : memref<157x128xi32, #tpu.memory_space<vmem>>)
        tpu.yield
      }) : () -> ()
      %broadcast_in_dim3A = arith.constant 0.000000e+00 : f32
      %broadcast_in_dim3A_2 = vector.broadcast %broadcast_in_dim3A : f32 to vector<16xf32>
      %broadcast_in_dim3A_3 = arith.constant 1.000000e+00 : f32
      %broadcast_in_dim3A_4 = vector.broadcast %broadcast_in_dim3A_3 : f32 to vector<16xf32>
      %scan3A = arith.constant 0 : i32
      %scan3A_5 = arith.constant 0 : i32
      %scan3A_6 = arith.constant 640 : i32
      %scan3A_7 = arith.addi %scan3A_5, %scan3A_6 : i32
      %scan3A_8 = arith.constant 1 : i32
      %scan3A_9 = scf.for %scan3A_146 = %scan3A_5 to %scan3A_7 step %scan3A_8 iter_args(%scan3A_147 = %scan3A) -> (i32)  : i32 {
        %mul3A_148 = arith.constant 16 : i32
        %mul3A_149 = arith.muli %scan3A_146, %mul3A_148 : i32
        %multiple_of3A_150 = tpu.assume_multiple %mul3A_149, 16 : i32
        %swap3A = arith.index_cast %multiple_of3A_150 : i32 to index
        %swap3A_151 = tpu.vector_load %arg5[%swap3A] {strides = array<i32>} : memref<10240xf32, #tpu.memory_space<vmem>>, vector<16xf32>,
        tpu.vector_store %arg5[%swap3A], %broadcast_in_dim3A_2 {strides = array<i32>} : memref<10240xf32, #tpu.memory_space<vmem>>, vector<16xf32>,
        %scan3A_152 = arith.constant 0 : i32
        scf.yield %scan3A_152 : i32
      }
      %scan3A_10 = arith.constant 640 : i32
      %scan3A_11 = arith.constant 0 : i32
      %scan3A_12 = arith.constant 0 : i32
      %scan3A_13 = arith.constant 157 : i32
      %scan3A_14 = arith.addi %scan3A_12, %scan3A_13 : i32
      %scan3A_15 = arith.constant 1 : i32
      %scan3A_16 = scf.for %scan3A_146 = %scan3A_12 to %scan3A_14 step %scan3A_15 iter_args(%scan3A_147 = %scan3A_11) -> (i32)  : i32 {
        %get3A = arith.index_cast %scan3A_146 : i32 to index
        %get3A_148 = arith.constant 0 : index
        %get3A_149 = tpu.vector_load %arg4[%get3A, %get3A_148] {strides = array<i32>} : memref<157x128xi32, #tpu.memory_space<vmem>>, vector<16xi32>,
        tpu.vector_store_idx %arg5[%get3A_149], %broadcast_in_dim3A_4 {add = true} : memref<10240xf32, #tpu.memory_space<vmem>>[vector<16xi32>], vector<16xf32>,
        %get3A_150 = arith.index_cast %scan3A_146 : i32 to index
        %get3A_151 = arith.constant 16 : index
        %get3A_152 = tpu.vector_load %arg4[%get3A_150, %get3A_151] {strides = array<i32>} : memref<157x128xi32, #tpu.memory_space<vmem>>, vector<16xi32>,
        tpu.vector_store_idx %arg5[%get3A_152], %broadcast_in_dim3A_4 {add = true} : memref<10240xf32, #tpu.memory_space<vmem>>[vector<16xi32>], vector<16xf32>,
        %get3A_153 = arith.index_cast %scan3A_146 : i32 to index
        %get3A_154 = arith.constant 32 : index
        %get3A_155 = tpu.vector_load %arg4[%get3A_153, %get3A_154] {strides = array<i32>} : memref<157x128xi32, #tpu.memory_space<vmem>>, vector<16xi32>,
        tpu.vector_store_idx %arg5[%get3A_155], %broadcast_in_dim3A_4 {add = true} : memref<10240xf32, #tpu.memory_space<vmem>>[vector<16xi32>], vector<16xf32>,
        %get3A_156 = arith.index_cast %scan3A_146 : i32 to index
        %get3A_157 = arith.constant 48 : index
        %get3A_158 = tpu.vector_load %arg4[%get3A_156, %get3A_157] {strides = array<i32>} : memref<157x128xi32, #tpu.memory_space<vmem>>, vector<16xi32>,
        tpu.vector_store_idx %arg5[%get3A_158], %broadcast_in_dim3A_4 {add = true} : memref<10240xf32, #tpu.memory_space<vmem>>[vector<16xi32>], vector<16xf32>,
        %get3A_159 = arith.index_cast %scan3A_146 : i32 to index
        %get3A_160 = arith.constant 64 : index
        %get3A_161 = tpu.vector_load %arg4[%get3A_159, %get3A_160] {strides = array<i32>} : memref<157x128xi32, #tpu.memory_space<vmem>>, vector<16xi32>,
        tpu.vector_store_idx %arg5[%get3A_161], %broadcast_in_dim3A_4 {add = true} : memref<10240xf32, #tpu.memory_space<vmem>>[vector<16xi32>], vector<16xf32>,
        %get3A_162 = arith.index_cast %scan3A_146 : i32 to index
        %get3A_163 = arith.constant 80 : index
        %get3A_164 = tpu.vector_load %arg4[%get3A_162, %get3A_163] {strides = array<i32>} : memref<157x128xi32, #tpu.memory_space<vmem>>, vector<16xi32>,
        tpu.vector_store_idx %arg5[%get3A_164], %broadcast_in_dim3A_4 {add = true} : memref<10240xf32, #tpu.memory_space<vmem>>[vector<16xi32>], vector<16xf32>,
        %get3A_165 = arith.index_cast %scan3A_146 : i32 to index
        %get3A_166 = arith.constant 96 : index
        %get3A_167 = tpu.vector_load %arg4[%get3A_165, %get3A_166] {strides = array<i32>} : memref<157x128xi32, #tpu.memory_space<vmem>>, vector<16xi32>,
        tpu.vector_store_idx %arg5[%get3A_167], %broadcast_in_dim3A_4 {add = true} : memref<10240xf32, #tpu.memory_space<vmem>>[vector<16xi32>], vector<16xf32>,
        %get3A_168 = arith.index_cast %scan3A_146 : i32 to index
        %get3A_169 = arith.constant 112 : index
        %get3A_170 = tpu.vector_load %arg4[%get3A_168, %get3A_169] {strides = array<i32>} : memref<157x128xi32, #tpu.memory_space<vmem>>, vector<16xi32>,
        tpu.vector_store_idx %arg5[%get3A_170], %broadcast_in_dim3A_4 {add = true} : memref<10240xf32, #tpu.memory_space<vmem>>[vector<16xi32>], vector<16xf32>,
        %scan3A_171 = arith.constant 0 : i32
        scf.yield %scan3A_171 : i32
      }
      %scan3A_17 = arith.constant 157 : i32
      "tpu.region"() ({
        %run_scoped3A_146 = tpu.sem_alloc : memref<!tpu.dma_semaphore, #tpu.memory_space<semaphore_mem>>
        %dma_start3A = arith.constant 0 : i32
        %dma_start3A_147 = tpu.memref_slice %arg8[%arg1, %dma_start3A] : memref<16x10240xf32, #tpu.memory_space<vmem_shared>> -> memref<1x10240xf32, #tpu.memory_space<vmem_shared>>
        %dma_start3A_148 = tpu.memref_squeeze %dma_start3A_147 : memref<1x10240xf32, #tpu.memory_space<vmem_shared>> -> memref<10240xf32, #tpu.memory_space<vmem_shared>>
        %dma_start3A_149 = arith.constant 0 : i32
        %dma_start3A_150 = tpu.memref_slice %arg8[%arg1, %dma_start3A_149] : memref<16x10240xf32, #tpu.memory_space<vmem_shared>> -> memref<1x10240xf32, #tpu.memory_space<vmem_shared>>
        %dma_start3A_151 = tpu.memref_squeeze %dma_start3A_150 : memref<1x10240xf32, #tpu.memory_space<vmem_shared>> -> memref<10240xf32, #tpu.memory_space<vmem_shared>>
        tpu.enqueue_dma source(%arg5 : memref<10240xf32, #tpu.memory_space<vmem>>) target(%dma_start3A_151 : memref<10240xf32, #tpu.memory_space<vmem_shared>>) target_semaphore(%run_scoped3A_146 : memref<!tpu.dma_semaphore, #tpu.memory_space<semaphore_mem>>)
        %dma_wait3A = arith.constant 0 : i32
        %dma_wait3A_152 = tpu.memref_slice %arg8[%arg1, %dma_wait3A] : memref<16x10240xf32, #tpu.memory_space<vmem_shared>> -> memref<1x10240xf32, #tpu.memory_space<vmem_shared>>
        %dma_wait3A_153 = tpu.memref_squeeze %dma_wait3A_152 : memref<1x10240xf32, #tpu.memory_space<vmem_shared>> -> memref<10240xf32, #tpu.memory_space<vmem_shared>>
        %dma_wait3A_154 = arith.constant 0 : i32
        %dma_wait3A_155 = tpu.memref_slice %arg8[%arg1, %dma_wait3A_154] : memref<16x10240xf32, #tpu.memory_space<vmem_shared>> -> memref<1x10240xf32, #tpu.memory_space<vmem_shared>>
        %dma_wait3A_156 = tpu.memref_squeeze %dma_wait3A_155 : memref<1x10240xf32, #tpu.memory_space<vmem_shared>> -> memref<10240xf32, #tpu.memory_space<vmem_shared>>
        tpu.wait_dma2 semaphore(%run_scoped3A_146 : memref<!tpu.dma_semaphore, #tpu.memory_space<semaphore_mem>>) src(%arg5 : memref<10240xf32, #tpu.memory_space<vmem>>) dst(%dma_wait3A_156 : memref<10240xf32, #tpu.memory_space<vmem_shared>>)
        tpu.yield
      }) : () -> ()
      %barrier3A = arith.constant 0 : index
      tpu.barrier barrier_id(%barrier3A)
      %mul3A = arith.constant 640 : i32
      %mul3A_18 = arith.muli %arg1, %mul3A : i32
      %multiple_of3A = tpu.assume_multiple %mul3A_18, 640 : i32
      %run_scoped3A = arith.constant 0 : i32
      "tpu.region"() ({
        %run_scoped3A_146 = tpu.sem_alloc : memref<!tpu.dma_semaphore, #tpu.memory_space<semaphore_mem>>
        %dma_start3A = tpu.memref_slice %arg8[%run_scoped3A, %multiple_of3A] : memref<16x10240xf32, #tpu.memory_space<vmem_shared>> -> memref<1x640xf32, #tpu.memory_space<vmem_shared>>
        %dma_start3A_147 = tpu.memref_squeeze %dma_start3A : memref<1x640xf32, #tpu.memory_space<vmem_shared>> -> memref<640xf32, #tpu.memory_space<vmem_shared>>
        %dma_start3A_148 = tpu.memref_slice %arg8[%run_scoped3A, %multiple_of3A] : memref<16x10240xf32, #tpu.memory_space<vmem_shared>> -> memref<1x640xf32, #tpu.memory_space<vmem_shared>>
        %dma_start3A_149 = tpu.memref_squeeze %dma_start3A_148 : memref<1x640xf32, #tpu.memory_space<vmem_shared>> -> memref<640xf32, #tpu.memory_space<vmem_shared>>
        tpu.enqueue_dma source(%dma_start3A_149 : memref<640xf32, #tpu.memory_space<vmem_shared>>) target(%arg6 : memref<640xf32, #tpu.memory_space<vmem>>) target_semaphore(%run_scoped3A_146 : memref<!tpu.dma_semaphore, #tpu.memory_space<semaphore_mem>>)
        %dma_wait3A = tpu.memref_slice %arg8[%run_scoped3A, %multiple_of3A] : memref<16x10240xf32, #tpu.memory_space<vmem_shared>> -> memref<1x640xf32, #tpu.memory_space<vmem_shared>>
        %dma_wait3A_150 = tpu.memref_squeeze %dma_wait3A : memref<1x640xf32, #tpu.memory_space<vmem_shared>> -> memref<640xf32, #tpu.memory_space<vmem_shared>>
        %dma_wait3A_151 = tpu.memref_slice %arg8[%run_scoped3A, %multiple_of3A] : memref<16x10240xf32, #tpu.memory_space<vmem_shared>> -> memref<1x640xf32, #tpu.memory_space<vmem_shared>>
        %dma_wait3A_152 = tpu.memref_squeeze %dma_wait3A_151 : memref<1x640xf32, #tpu.memory_space<vmem_shared>> -> memref<640xf32, #tpu.memory_space<vmem_shared>>
        tpu.wait_dma2 semaphore(%run_scoped3A_146 : memref<!tpu.dma_semaphore, #tpu.memory_space<semaphore_mem>>) src(%dma_wait3A_152 : memref<640xf32, #tpu.memory_space<vmem_shared>>) dst(%arg6 : memref<640xf32, #tpu.memory_space<vmem>>)
        tpu.yield
      }) : () -> ()
      %scan3A_19 = arith.constant 0 : i32
      %scan3A_20 = arith.constant 0 : i32
      %scan3A_21 = arith.constant 40 : i32
      %scan3A_22 = arith.addi %scan3A_20, %scan3A_21 : i32
      %scan3A_23 = arith.constant 1 : i32
      %scan3A_24 = scf.for %scan3A_146 = %scan3A_20 to %scan3A_22 step %scan3A_23 iter_args(%scan3A_147 = %scan3A_19) -> (i32)  : i32 {
        %mul3A_148 = arith.constant 16 : i32
        %mul3A_149 = arith.muli %scan3A_146, %mul3A_148 : i32
        %multiple_of3A_150 = tpu.assume_multiple %mul3A_149, 16 : i32
        %get3A = arith.index_cast %multiple_of3A_150 : i32 to index
        %get3A_151 = tpu.vector_load %arg6[%get3A] {strides = array<i32>} : memref<640xf32, #tpu.memory_space<vmem>>, vector<16xf32>,
        %swap3A = arith.index_cast %multiple_of3A_150 : i32 to index
        %swap3A_152 = tpu.vector_load %arg7[%swap3A] {strides = array<i32>} : memref<640xf32, #tpu.memory_space<vmem>>, vector<16xf32>,
        tpu.vector_store %arg7[%swap3A], %get3A_151 {strides = array<i32>} : memref<640xf32, #tpu.memory_space<vmem>>, vector<16xf32>,
        %scan3A_153 = arith.constant 0 : i32
        scf.yield %scan3A_153 : i32
      }
      %scan3A_25 = arith.constant 40 : i32
      %run_scoped3A_26 = arith.constant 1 : i32
      "tpu.region"() ({
        %run_scoped3A_146 = tpu.sem_alloc : memref<!tpu.dma_semaphore, #tpu.memory_space<semaphore_mem>>
        %dma_start3A = tpu.memref_slice %arg8[%run_scoped3A_26, %multiple_of3A] : memref<16x10240xf32, #tpu.memory_space<vmem_shared>> -> memref<1x640xf32, #tpu.memory_space<vmem_shared>>
        %dma_start3A_147 = tpu.memref_squeeze %dma_start3A : memref<1x640xf32, #tpu.memory_space<vmem_shared>> -> memref<640xf32, #tpu.memory_space<vmem_shared>>
        %dma_start3A_148 = tpu.memref_slice %arg8[%run_scoped3A_26, %multiple_of3A] : memref<16x10240xf32, #tpu.memory_space<vmem_shared>> -> memref<1x640xf32, #tpu.memory_space<vmem_shared>>
        %dma_start3A_149 = tpu.memref_squeeze %dma_start3A_148 : memref<1x640xf32, #tpu.memory_space<vmem_shared>> -> memref<640xf32, #tpu.memory_space<vmem_shared>>
        tpu.enqueue_dma source(%dma_start3A_149 : memref<640xf32, #tpu.memory_space<vmem_shared>>) target(%arg6 : memref<640xf32, #tpu.memory_space<vmem>>) target_semaphore(%run_scoped3A_146 : memref<!tpu.dma_semaphore, #tpu.memory_space<semaphore_mem>>)
        %dma_wait3A = tpu.memref_slice %arg8[%run_scoped3A_26, %multiple_of3A] : memref<16x10240xf32, #tpu.memory_space<vmem_shared>> -> memref<1x640xf32, #tpu.memory_space<vmem_shared>>
        %dma_wait3A_150 = tpu.memref_squeeze %dma_wait3A : memref<1x640xf32, #tpu.memory_space<vmem_shared>> -> memref<640xf32, #tpu.memory_space<vmem_shared>>
        %dma_wait3A_151 = tpu.memref_slice %arg8[%run_scoped3A_26, %multiple_of3A] : memref<16x10240xf32, #tpu.memory_space<vmem_shared>> -> memref<1x640xf32, #tpu.memory_space<vmem_shared>>
        %dma_wait3A_152 = tpu.memref_squeeze %dma_wait3A_151 : memref<1x640xf32, #tpu.memory_space<vmem_shared>> -> memref<640xf32, #tpu.memory_space<vmem_shared>>
        tpu.wait_dma2 semaphore(%run_scoped3A_146 : memref<!tpu.dma_semaphore, #tpu.memory_space<semaphore_mem>>) src(%dma_wait3A_152 : memref<640xf32, #tpu.memory_space<vmem_shared>>) dst(%arg6 : memref<640xf32, #tpu.memory_space<vmem>>)
        tpu.yield
      }) : () -> ()
      %scan3A_27 = arith.constant 0 : i32
      %scan3A_28 = arith.constant 0 : i32
      %scan3A_29 = arith.constant 40 : i32
      %scan3A_30 = arith.addi %scan3A_28, %scan3A_29 : i32
      %scan3A_31 = arith.constant 1 : i32
      %scan3A_32 = scf.for %scan3A_146 = %scan3A_28 to %scan3A_30 step %scan3A_31 iter_args(%scan3A_147 = %scan3A_27) -> (i32)  : i32 {
        %mul3A_148 = arith.constant 16 : i32
        %mul3A_149 = arith.muli %scan3A_146, %mul3A_148 : i32
        %multiple_of3A_150 = tpu.assume_multiple %mul3A_149, 16 : i32
        %get3A = arith.index_cast %multiple_of3A_150 : i32 to index
        %get3A_151 = tpu.vector_load %arg7[%get3A] {strides = array<i32>} : memref<640xf32, #tpu.memory_space<vmem>>, vector<16xf32>,
        %get3A_152 = arith.index_cast %multiple_of3A_150 : i32 to index
        %get3A_153 = tpu.vector_load %arg6[%get3A_152] {strides = array<i32>} : memref<640xf32, #tpu.memory_space<vmem>>, vector<16xf32>,
        %add3A = arith.addf %get3A_151, %get3A_153 : vector<16xf32>
        %swap3A = arith.index_cast %multiple_of3A_150 : i32 to index
        %swap3A_154 = tpu.vector_load %arg7[%swap3A] {strides = array<i32>} : memref<640xf32, #tpu.memory_space<vmem>>, vector<16xf32>,
        tpu.vector_store %arg7[%swap3A], %add3A {strides = array<i32>} : memref<640xf32, #tpu.memory_space<vmem>>, vector<16xf32>,
        %scan3A_155 = arith.constant 0 : i32
        scf.yield %scan3A_155 : i32
      }
      %scan3A_33 = arith.constant 40 : i32
      %run_scoped3A_34 = arith.constant 2 : i32
      "tpu.region"() ({
        %run_scoped3A_146 = tpu.sem_alloc : memref<!tpu.dma_semaphore, #tpu.memory_space<semaphore_mem>>
        %dma_start3A = tpu.memref_slice %arg8[%run_scoped3A_34, %multiple_of3A] : memref<16x10240xf32, #tpu.memory_space<vmem_shared>> -> memref<1x640xf32, #tpu.memory_space<vmem_shared>>
        %dma_start3A_147 = tpu.memref_squeeze %dma_start3A : memref<1x640xf32, #tpu.memory_space<vmem_shared>> -> memref<640xf32, #tpu.memory_space<vmem_shared>>
        %dma_start3A_148 = tpu.memref_slice %arg8[%run_scoped3A_34, %multiple_of3A] : memref<16x10240xf32, #tpu.memory_space<vmem_shared>> -> memref<1x640xf32, #tpu.memory_space<vmem_shared>>
        %dma_start3A_149 = tpu.memref_squeeze %dma_start3A_148 : memref<1x640xf32, #tpu.memory_space<vmem_shared>> -> memref<640xf32, #tpu.memory_space<vmem_shared>>
        tpu.enqueue_dma source(%dma_start3A_149 : memref<640xf32, #tpu.memory_space<vmem_shared>>) target(%arg6 : memref<640xf32, #tpu.memory_space<vmem>>) target_semaphore(%run_scoped3A_146 : memref<!tpu.dma_semaphore, #tpu.memory_space<semaphore_mem>>)
        %dma_wait3A = tpu.memref_slice %arg8[%run_scoped3A_34, %multiple_of3A] : memref<16x10240xf32, #tpu.memory_space<vmem_shared>> -> memref<1x640xf32, #tpu.memory_space<vmem_shared>>
        %dma_wait3A_150 = tpu.memref_squeeze %dma_wait3A : memref<1x640xf32, #tpu.memory_space<vmem_shared>> -> memref<640xf32, #tpu.memory_space<vmem_shared>>
        %dma_wait3A_151 = tpu.memref_slice %arg8[%run_scoped3A_34, %multiple_of3A] : memref<16x10240xf32, #tpu.memory_space<vmem_shared>> -> memref<1x640xf32, #tpu.memory_space<vmem_shared>>
        %dma_wait3A_152 = tpu.memref_squeeze %dma_wait3A_151 : memref<1x640xf32, #tpu.memory_space<vmem_shared>> -> memref<640xf32, #tpu.memory_space<vmem_shared>>
        tpu.wait_dma2 semaphore(%run_scoped3A_146 : memref<!tpu.dma_semaphore, #tpu.memory_space<semaphore_mem>>) src(%dma_wait3A_152 : memref<640xf32, #tpu.memory_space<vmem_shared>>) dst(%arg6 : memref<640xf32, #tpu.memory_space<vmem>>)
        tpu.yield
      }) : () -> ()
      %scan3A_35 = arith.constant 0 : i32
      %scan3A_36 = arith.constant 0 : i32
      %scan3A_37 = arith.constant 40 : i32
      %scan3A_38 = arith.addi %scan3A_36, %scan3A_37 : i32
      %scan3A_39 = arith.constant 1 : i32
      %scan3A_40 = scf.for %scan3A_146 = %scan3A_36 to %scan3A_38 step %scan3A_39 iter_args(%scan3A_147 = %scan3A_35) -> (i32)  : i32 {
        %mul3A_148 = arith.constant 16 : i32
        %mul3A_149 = arith.muli %scan3A_146, %mul3A_148 : i32
        %multiple_of3A_150 = tpu.assume_multiple %mul3A_149, 16 : i32
        %get3A = arith.index_cast %multiple_of3A_150 : i32 to index
        %get3A_151 = tpu.vector_load %arg7[%get3A] {strides = array<i32>} : memref<640xf32, #tpu.memory_space<vmem>>, vector<16xf32>,
        %get3A_152 = arith.index_cast %multiple_of3A_150 : i32 to index
        %get3A_153 = tpu.vector_load %arg6[%get3A_152] {strides = array<i32>} : memref<640xf32, #tpu.memory_space<vmem>>, vector<16xf32>,
        %add3A = arith.addf %get3A_151, %get3A_153 : vector<16xf32>
        %swap3A = arith.index_cast %multiple_of3A_150 : i32 to index
        %swap3A_154 = tpu.vector_load %arg7[%swap3A] {strides = array<i32>} : memref<640xf32, #tpu.memory_space<vmem>>, vector<16xf32>,
        tpu.vector_store %arg7[%swap3A], %add3A {strides = array<i32>} : memref<640xf32, #tpu.memory_space<vmem>>, vector<16xf32>,
        %scan3A_155 = arith.constant 0 : i32
        scf.yield %scan3A_155 : i32
      }
      %scan3A_41 = arith.constant 40 : i32
      %run_scoped3A_42 = arith.constant 3 : i32
      "tpu.region"() ({
        %run_scoped3A_146 = tpu.sem_alloc : memref<!tpu.dma_semaphore, #tpu.memory_space<semaphore_mem>>
        %dma_start3A = tpu.memref_slice %arg8[%run_scoped3A_42, %multiple_of3A] : memref<16x10240xf32, #tpu.memory_space<vmem_shared>> -> memref<1x640xf32, #tpu.memory_space<vmem_shared>>
        %dma_start3A_147 = tpu.memref_squeeze %dma_start3A : memref<1x640xf32, #tpu.memory_space<vmem_shared>> -> memref<640xf32, #tpu.memory_space<vmem_shared>>
        %dma_start3A_148 = tpu.memref_slice %arg8[%run_scoped3A_42, %multiple_of3A] : memref<16x10240xf32, #tpu.memory_space<vmem_shared>> -> memref<1x640xf32, #tpu.memory_space<vmem_shared>>
        %dma_start3A_149 = tpu.memref_squeeze %dma_start3A_148 : memref<1x640xf32, #tpu.memory_space<vmem_shared>> -> memref<640xf32, #tpu.memory_space<vmem_shared>>
        tpu.enqueue_dma source(%dma_start3A_149 : memref<640xf32, #tpu.memory_space<vmem_shared>>) target(%arg6 : memref<640xf32, #tpu.memory_space<vmem>>) target_semaphore(%run_scoped3A_146 : memref<!tpu.dma_semaphore, #tpu.memory_space<semaphore_mem>>)
        %dma_wait3A = tpu.memref_slice %arg8[%run_scoped3A_42, %multiple_of3A] : memref<16x10240xf32, #tpu.memory_space<vmem_shared>> -> memref<1x640xf32, #tpu.memory_space<vmem_shared>>
        %dma_wait3A_150 = tpu.memref_squeeze %dma_wait3A : memref<1x640xf32, #tpu.memory_space<vmem_shared>> -> memref<640xf32, #tpu.memory_space<vmem_shared>>
        %dma_wait3A_151 = tpu.memref_slice %arg8[%run_scoped3A_42, %multiple_of3A] : memref<16x10240xf32, #tpu.memory_space<vmem_shared>> -> memref<1x640xf32, #tpu.memory_space<vmem_shared>>
        %dma_wait3A_152 = tpu.memref_squeeze %dma_wait3A_151 : memref<1x640xf32, #tpu.memory_space<vmem_shared>> -> memref<640xf32, #tpu.memory_space<vmem_shared>>
        tpu.wait_dma2 semaphore(%run_scoped3A_146 : memref<!tpu.dma_semaphore, #tpu.memory_space<semaphore_mem>>) src(%dma_wait3A_152 : memref<640xf32, #tpu.memory_space<vmem_shared>>) dst(%arg6 : memref<640xf32, #tpu.memory_space<vmem>>)
        tpu.yield
      }) : () -> ()
      %scan3A_43 = arith.constant 0 : i32
      %scan3A_44 = arith.constant 0 : i32
      %scan3A_45 = arith.constant 40 : i32
      %scan3A_46 = arith.addi %scan3A_44, %scan3A_45 : i32
      %scan3A_47 = arith.constant 1 : i32
      %scan3A_48 = scf.for %scan3A_146 = %scan3A_44 to %scan3A_46 step %scan3A_47 iter_args(%scan3A_147 = %scan3A_43) -> (i32)  : i32 {
        %mul3A_148 = arith.constant 16 : i32
        %mul3A_149 = arith.muli %scan3A_146, %mul3A_148 : i32
        %multiple_of3A_150 = tpu.assume_multiple %mul3A_149, 16 : i32
        %get3A = arith.index_cast %multiple_of3A_150 : i32 to index
        %get3A_151 = tpu.vector_load %arg7[%get3A] {strides = array<i32>} : memref<640xf32, #tpu.memory_space<vmem>>, vector<16xf32>,
        %get3A_152 = arith.index_cast %multiple_of3A_150 : i32 to index
        %get3A_153 = tpu.vector_load %arg6[%get3A_152] {strides = array<i32>} : memref<640xf32, #tpu.memory_space<vmem>>, vector<16xf32>,
        %add3A = arith.addf %get3A_151, %get3A_153 : vector<16xf32>
        %swap3A = arith.index_cast %multiple_of3A_150 : i32 to index
        %swap3A_154 = tpu.vector_load %arg7[%swap3A] {strides = array<i32>} : memref<640xf32, #tpu.memory_space<vmem>>, vector<16xf32>,
        tpu.vector_store %arg7[%swap3A], %add3A {strides = array<i32>} : memref<640xf32, #tpu.memory_space<vmem>>, vector<16xf32>,
        %scan3A_155 = arith.constant 0 : i32
        scf.yield %scan3A_155 : i32
      }
      %scan3A_49 = arith.constant 40 : i32
      %run_scoped3A_50 = arith.constant 4 : i32
      "tpu.region"() ({
        %run_scoped3A_146 = tpu.sem_alloc : memref<!tpu.dma_semaphore, #tpu.memory_space<semaphore_mem>>
        %dma_start3A = tpu.memref_slice %arg8[%run_scoped3A_50, %multiple_of3A] : memref<16x10240xf32, #tpu.memory_space<vmem_shared>> -> memref<1x640xf32, #tpu.memory_space<vmem_shared>>
        %dma_start3A_147 = tpu.memref_squeeze %dma_start3A : memref<1x640xf32, #tpu.memory_space<vmem_shared>> -> memref<640xf32, #tpu.memory_space<vmem_shared>>
        %dma_start3A_148 = tpu.memref_slice %arg8[%run_scoped3A_50, %multiple_of3A] : memref<16x10240xf32, #tpu.memory_space<vmem_shared>> -> memref<1x640xf32, #tpu.memory_space<vmem_shared>>
        %dma_start3A_149 = tpu.memref_squeeze %dma_start3A_148 : memref<1x640xf32, #tpu.memory_space<vmem_shared>> -> memref<640xf32, #tpu.memory_space<vmem_shared>>
        tpu.enqueue_dma source(%dma_start3A_149 : memref<640xf32, #tpu.memory_space<vmem_shared>>) target(%arg6 : memref<640xf32, #tpu.memory_space<vmem>>) target_semaphore(%run_scoped3A_146 : memref<!tpu.dma_semaphore, #tpu.memory_space<semaphore_mem>>)
        %dma_wait3A = tpu.memref_slice %arg8[%run_scoped3A_50, %multiple_of3A] : memref<16x10240xf32, #tpu.memory_space<vmem_shared>> -> memref<1x640xf32, #tpu.memory_space<vmem_shared>>
        %dma_wait3A_150 = tpu.memref_squeeze %dma_wait3A : memref<1x640xf32, #tpu.memory_space<vmem_shared>> -> memref<640xf32, #tpu.memory_space<vmem_shared>>
        %dma_wait3A_151 = tpu.memref_slice %arg8[%run_scoped3A_50, %multiple_of3A] : memref<16x10240xf32, #tpu.memory_space<vmem_shared>> -> memref<1x640xf32, #tpu.memory_space<vmem_shared>>
        %dma_wait3A_152 = tpu.memref_squeeze %dma_wait3A_151 : memref<1x640xf32, #tpu.memory_space<vmem_shared>> -> memref<640xf32, #tpu.memory_space<vmem_shared>>
        tpu.wait_dma2 semaphore(%run_scoped3A_146 : memref<!tpu.dma_semaphore, #tpu.memory_space<semaphore_mem>>) src(%dma_wait3A_152 : memref<640xf32, #tpu.memory_space<vmem_shared>>) dst(%arg6 : memref<640xf32, #tpu.memory_space<vmem>>)
        tpu.yield
      }) : () -> ()
      %scan3A_51 = arith.constant 0 : i32
      %scan3A_52 = arith.constant 0 : i32
      %scan3A_53 = arith.constant 40 : i32
      %scan3A_54 = arith.addi %scan3A_52, %scan3A_53 : i32
      %scan3A_55 = arith.constant 1 : i32
      %scan3A_56 = scf.for %scan3A_146 = %scan3A_52 to %scan3A_54 step %scan3A_55 iter_args(%scan3A_147 = %scan3A_51) -> (i32)  : i32 {
        %mul3A_148 = arith.constant 16 : i32
        %mul3A_149 = arith.muli %scan3A_146, %mul3A_148 : i32
        %multiple_of3A_150 = tpu.assume_multiple %mul3A_149, 16 : i32
        %get3A = arith.index_cast %multiple_of3A_150 : i32 to index
        %get3A_151 = tpu.vector_load %arg7[%get3A] {strides = array<i32>} : memref<640xf32, #tpu.memory_space<vmem>>, vector<16xf32>,
        %get3A_152 = arith.index_cast %multiple_of3A_150 : i32 to index
        %get3A_153 = tpu.vector_load %arg6[%get3A_152] {strides = array<i32>} : memref<640xf32, #tpu.memory_space<vmem>>, vector<16xf32>,
        %add3A = arith.addf %get3A_151, %get3A_153 : vector<16xf32>
        %swap3A = arith.index_cast %multiple_of3A_150 : i32 to index
        %swap3A_154 = tpu.vector_load %arg7[%swap3A] {strides = array<i32>} : memref<640xf32, #tpu.memory_space<vmem>>, vector<16xf32>,
        tpu.vector_store %arg7[%swap3A], %add3A {strides = array<i32>} : memref<640xf32, #tpu.memory_space<vmem>>, vector<16xf32>,
        %scan3A_155 = arith.constant 0 : i32
        scf.yield %scan3A_155 : i32
      }
      %scan3A_57 = arith.constant 40 : i32
      %run_scoped3A_58 = arith.constant 5 : i32
      "tpu.region"() ({
        %run_scoped3A_146 = tpu.sem_alloc : memref<!tpu.dma_semaphore, #tpu.memory_space<semaphore_mem>>
        %dma_start3A = tpu.memref_slice %arg8[%run_scoped3A_58, %multiple_of3A] : memref<16x10240xf32, #tpu.memory_space<vmem_shared>> -> memref<1x640xf32, #tpu.memory_space<vmem_shared>>
        %dma_start3A_147 = tpu.memref_squeeze %dma_start3A : memref<1x640xf32, #tpu.memory_space<vmem_shared>> -> memref<640xf32, #tpu.memory_space<vmem_shared>>
        %dma_start3A_148 = tpu.memref_slice %arg8[%run_scoped3A_58, %multiple_of3A] : memref<16x10240xf32, #tpu.memory_space<vmem_shared>> -> memref<1x640xf32, #tpu.memory_space<vmem_shared>>
        %dma_start3A_149 = tpu.memref_squeeze %dma_start3A_148 : memref<1x640xf32, #tpu.memory_space<vmem_shared>> -> memref<640xf32, #tpu.memory_space<vmem_shared>>
        tpu.enqueue_dma source(%dma_start3A_149 : memref<640xf32, #tpu.memory_space<vmem_shared>>) target(%arg6 : memref<640xf32, #tpu.memory_space<vmem>>) target_semaphore(%run_scoped3A_146 : memref<!tpu.dma_semaphore, #tpu.memory_space<semaphore_mem>>)
        %dma_wait3A = tpu.memref_slice %arg8[%run_scoped3A_58, %multiple_of3A] : memref<16x10240xf32, #tpu.memory_space<vmem_shared>> -> memref<1x640xf32, #tpu.memory_space<vmem_shared>>
        %dma_wait3A_150 = tpu.memref_squeeze %dma_wait3A : memref<1x640xf32, #tpu.memory_space<vmem_shared>> -> memref<640xf32, #tpu.memory_space<vmem_shared>>
        %dma_wait3A_151 = tpu.memref_slice %arg8[%run_scoped3A_58, %multiple_of3A] : memref<16x10240xf32, #tpu.memory_space<vmem_shared>> -> memref<1x640xf32, #tpu.memory_space<vmem_shared>>
        %dma_wait3A_152 = tpu.memref_squeeze %dma_wait3A_151 : memref<1x640xf32, #tpu.memory_space<vmem_shared>> -> memref<640xf32, #tpu.memory_space<vmem_shared>>
        tpu.wait_dma2 semaphore(%run_scoped3A_146 : memref<!tpu.dma_semaphore, #tpu.memory_space<semaphore_mem>>) src(%dma_wait3A_152 : memref<640xf32, #tpu.memory_space<vmem_shared>>) dst(%arg6 : memref<640xf32, #tpu.memory_space<vmem>>)
        tpu.yield
      }) : () -> ()
      %scan3A_59 = arith.constant 0 : i32
      %scan3A_60 = arith.constant 0 : i32
      %scan3A_61 = arith.constant 40 : i32
      %scan3A_62 = arith.addi %scan3A_60, %scan3A_61 : i32
      %scan3A_63 = arith.constant 1 : i32
      %scan3A_64 = scf.for %scan3A_146 = %scan3A_60 to %scan3A_62 step %scan3A_63 iter_args(%scan3A_147 = %scan3A_59) -> (i32)  : i32 {
        %mul3A_148 = arith.constant 16 : i32
        %mul3A_149 = arith.muli %scan3A_146, %mul3A_148 : i32
        %multiple_of3A_150 = tpu.assume_multiple %mul3A_149, 16 : i32
        %get3A = arith.index_cast %multiple_of3A_150 : i32 to index
        %get3A_151 = tpu.vector_load %arg7[%get3A] {strides = array<i32>} : memref<640xf32, #tpu.memory_space<vmem>>, vector<16xf32>,
        %get3A_152 = arith.index_cast %multiple_of3A_150 : i32 to index
        %get3A_153 = tpu.vector_load %arg6[%get3A_152] {strides = array<i32>} : memref<640xf32, #tpu.memory_space<vmem>>, vector<16xf32>,
        %add3A = arith.addf %get3A_151, %get3A_153 : vector<16xf32>
        %swap3A = arith.index_cast %multiple_of3A_150 : i32 to index
        %swap3A_154 = tpu.vector_load %arg7[%swap3A] {strides = array<i32>} : memref<640xf32, #tpu.memory_space<vmem>>, vector<16xf32>,
        tpu.vector_store %arg7[%swap3A], %add3A {strides = array<i32>} : memref<640xf32, #tpu.memory_space<vmem>>, vector<16xf32>,
        %scan3A_155 = arith.constant 0 : i32
        scf.yield %scan3A_155 : i32
      }
      %scan3A_65 = arith.constant 40 : i32
      %run_scoped3A_66 = arith.constant 6 : i32
      "tpu.region"() ({
        %run_scoped3A_146 = tpu.sem_alloc : memref<!tpu.dma_semaphore, #tpu.memory_space<semaphore_mem>>
        %dma_start3A = tpu.memref_slice %arg8[%run_scoped3A_66, %multiple_of3A] : memref<16x10240xf32, #tpu.memory_space<vmem_shared>> -> memref<1x640xf32, #tpu.memory_space<vmem_shared>>
        %dma_start3A_147 = tpu.memref_squeeze %dma_start3A : memref<1x640xf32, #tpu.memory_space<vmem_shared>> -> memref<640xf32, #tpu.memory_space<vmem_shared>>
        %dma_start3A_148 = tpu.memref_slice %arg8[%run_scoped3A_66, %multiple_of3A] : memref<16x10240xf32, #tpu.memory_space<vmem_shared>> -> memref<1x640xf32, #tpu.memory_space<vmem_shared>>
        %dma_start3A_149 = tpu.memref_squeeze %dma_start3A_148 : memref<1x640xf32, #tpu.memory_space<vmem_shared>> -> memref<640xf32, #tpu.memory_space<vmem_shared>>
        tpu.enqueue_dma source(%dma_start3A_149 : memref<640xf32, #tpu.memory_space<vmem_shared>>) target(%arg6 : memref<640xf32, #tpu.memory_space<vmem>>) target_semaphore(%run_scoped3A_146 : memref<!tpu.dma_semaphore, #tpu.memory_space<semaphore_mem>>)
        %dma_wait3A = tpu.memref_slice %arg8[%run_scoped3A_66, %multiple_of3A] : memref<16x10240xf32, #tpu.memory_space<vmem_shared>> -> memref<1x640xf32, #tpu.memory_space<vmem_shared>>
        %dma_wait3A_150 = tpu.memref_squeeze %dma_wait3A : memref<1x640xf32, #tpu.memory_space<vmem_shared>> -> memref<640xf32, #tpu.memory_space<vmem_shared>>
        %dma_wait3A_151 = tpu.memref_slice %arg8[%run_scoped3A_66, %multiple_of3A] : memref<16x10240xf32, #tpu.memory_space<vmem_shared>> -> memref<1x640xf32, #tpu.memory_space<vmem_shared>>
        %dma_wait3A_152 = tpu.memref_squeeze %dma_wait3A_151 : memref<1x640xf32, #tpu.memory_space<vmem_shared>> -> memref<640xf32, #tpu.memory_space<vmem_shared>>
        tpu.wait_dma2 semaphore(%run_scoped3A_146 : memref<!tpu.dma_semaphore, #tpu.memory_space<semaphore_mem>>) src(%dma_wait3A_152 : memref<640xf32, #tpu.memory_space<vmem_shared>>) dst(%arg6 : memref<640xf32, #tpu.memory_space<vmem>>)
        tpu.yield
      }) : () -> ()
      %scan3A_67 = arith.constant 0 : i32
      %scan3A_68 = arith.constant 0 : i32
      %scan3A_69 = arith.constant 40 : i32
      %scan3A_70 = arith.addi %scan3A_68, %scan3A_69 : i32
      %scan3A_71 = arith.constant 1 : i32
      %scan3A_72 = scf.for %scan3A_146 = %scan3A_68 to %scan3A_70 step %scan3A_71 iter_args(%scan3A_147 = %scan3A_67) -> (i32)  : i32 {
        %mul3A_148 = arith.constant 16 : i32
        %mul3A_149 = arith.muli %scan3A_146, %mul3A_148 : i32
        %multiple_of3A_150 = tpu.assume_multiple %mul3A_149, 16 : i32
        %get3A = arith.index_cast %multiple_of3A_150 : i32 to index
        %get3A_151 = tpu.vector_load %arg7[%get3A] {strides = array<i32>} : memref<640xf32, #tpu.memory_space<vmem>>, vector<16xf32>,
        %get3A_152 = arith.index_cast %multiple_of3A_150 : i32 to index
        %get3A_153 = tpu.vector_load %arg6[%get3A_152] {strides = array<i32>} : memref<640xf32, #tpu.memory_space<vmem>>, vector<16xf32>,
        %add3A = arith.addf %get3A_151, %get3A_153 : vector<16xf32>
        %swap3A = arith.index_cast %multiple_of3A_150 : i32 to index
        %swap3A_154 = tpu.vector_load %arg7[%swap3A] {strides = array<i32>} : memref<640xf32, #tpu.memory_space<vmem>>, vector<16xf32>,
        tpu.vector_store %arg7[%swap3A], %add3A {strides = array<i32>} : memref<640xf32, #tpu.memory_space<vmem>>, vector<16xf32>,
        %scan3A_155 = arith.constant 0 : i32
        scf.yield %scan3A_155 : i32
      }
      %scan3A_73 = arith.constant 40 : i32
      %run_scoped3A_74 = arith.constant 7 : i32
      "tpu.region"() ({
        %run_scoped3A_146 = tpu.sem_alloc : memref<!tpu.dma_semaphore, #tpu.memory_space<semaphore_mem>>
        %dma_start3A = tpu.memref_slice %arg8[%run_scoped3A_74, %multiple_of3A] : memref<16x10240xf32, #tpu.memory_space<vmem_shared>> -> memref<1x640xf32, #tpu.memory_space<vmem_shared>>
        %dma_start3A_147 = tpu.memref_squeeze %dma_start3A : memref<1x640xf32, #tpu.memory_space<vmem_shared>> -> memref<640xf32, #tpu.memory_space<vmem_shared>>
        %dma_start3A_148 = tpu.memref_slice %arg8[%run_scoped3A_74, %multiple_of3A] : memref<16x10240xf32, #tpu.memory_space<vmem_shared>> -> memref<1x640xf32, #tpu.memory_space<vmem_shared>>
        %dma_start3A_149 = tpu.memref_squeeze %dma_start3A_148 : memref<1x640xf32, #tpu.memory_space<vmem_shared>> -> memref<640xf32, #tpu.memory_space<vmem_shared>>
        tpu.enqueue_dma source(%dma_start3A_149 : memref<640xf32, #tpu.memory_space<vmem_shared>>) target(%arg6 : memref<640xf32, #tpu.memory_space<vmem>>) target_semaphore(%run_scoped3A_146 : memref<!tpu.dma_semaphore, #tpu.memory_space<semaphore_mem>>)
        %dma_wait3A = tpu.memref_slice %arg8[%run_scoped3A_74, %multiple_of3A] : memref<16x10240xf32, #tpu.memory_space<vmem_shared>> -> memref<1x640xf32, #tpu.memory_space<vmem_shared>>
        %dma_wait3A_150 = tpu.memref_squeeze %dma_wait3A : memref<1x640xf32, #tpu.memory_space<vmem_shared>> -> memref<640xf32, #tpu.memory_space<vmem_shared>>
        %dma_wait3A_151 = tpu.memref_slice %arg8[%run_scoped3A_74, %multiple_of3A] : memref<16x10240xf32, #tpu.memory_space<vmem_shared>> -> memref<1x640xf32, #tpu.memory_space<vmem_shared>>
        %dma_wait3A_152 = tpu.memref_squeeze %dma_wait3A_151 : memref<1x640xf32, #tpu.memory_space<vmem_shared>> -> memref<640xf32, #tpu.memory_space<vmem_shared>>
        tpu.wait_dma2 semaphore(%run_scoped3A_146 : memref<!tpu.dma_semaphore, #tpu.memory_space<semaphore_mem>>) src(%dma_wait3A_152 : memref<640xf32, #tpu.memory_space<vmem_shared>>) dst(%arg6 : memref<640xf32, #tpu.memory_space<vmem>>)
        tpu.yield
      }) : () -> ()
      %scan3A_75 = arith.constant 0 : i32
      %scan3A_76 = arith.constant 0 : i32
      %scan3A_77 = arith.constant 40 : i32
      %scan3A_78 = arith.addi %scan3A_76, %scan3A_77 : i32
      %scan3A_79 = arith.constant 1 : i32
      %scan3A_80 = scf.for %scan3A_146 = %scan3A_76 to %scan3A_78 step %scan3A_79 iter_args(%scan3A_147 = %scan3A_75) -> (i32)  : i32 {
        %mul3A_148 = arith.constant 16 : i32
        %mul3A_149 = arith.muli %scan3A_146, %mul3A_148 : i32
        %multiple_of3A_150 = tpu.assume_multiple %mul3A_149, 16 : i32
        %get3A = arith.index_cast %multiple_of3A_150 : i32 to index
        %get3A_151 = tpu.vector_load %arg7[%get3A] {strides = array<i32>} : memref<640xf32, #tpu.memory_space<vmem>>, vector<16xf32>,
        %get3A_152 = arith.index_cast %multiple_of3A_150 : i32 to index
        %get3A_153 = tpu.vector_load %arg6[%get3A_152] {strides = array<i32>} : memref<640xf32, #tpu.memory_space<vmem>>, vector<16xf32>,
        %add3A = arith.addf %get3A_151, %get3A_153 : vector<16xf32>
        %swap3A = arith.index_cast %multiple_of3A_150 : i32 to index
        %swap3A_154 = tpu.vector_load %arg7[%swap3A] {strides = array<i32>} : memref<640xf32, #tpu.memory_space<vmem>>, vector<16xf32>,
        tpu.vector_store %arg7[%swap3A], %add3A {strides = array<i32>} : memref<640xf32, #tpu.memory_space<vmem>>, vector<16xf32>,
        %scan3A_155 = arith.constant 0 : i32
        scf.yield %scan3A_155 : i32
      }
      %scan3A_81 = arith.constant 40 : i32
      %run_scoped3A_82 = arith.constant 8 : i32
      "tpu.region"() ({
        %run_scoped3A_146 = tpu.sem_alloc : memref<!tpu.dma_semaphore, #tpu.memory_space<semaphore_mem>>
        %dma_start3A = tpu.memref_slice %arg8[%run_scoped3A_82, %multiple_of3A] : memref<16x10240xf32, #tpu.memory_space<vmem_shared>> -> memref<1x640xf32, #tpu.memory_space<vmem_shared>>
        %dma_start3A_147 = tpu.memref_squeeze %dma_start3A : memref<1x640xf32, #tpu.memory_space<vmem_shared>> -> memref<640xf32, #tpu.memory_space<vmem_shared>>
        %dma_start3A_148 = tpu.memref_slice %arg8[%run_scoped3A_82, %multiple_of3A] : memref<16x10240xf32, #tpu.memory_space<vmem_shared>> -> memref<1x640xf32, #tpu.memory_space<vmem_shared>>
        %dma_start3A_149 = tpu.memref_squeeze %dma_start3A_148 : memref<1x640xf32, #tpu.memory_space<vmem_shared>> -> memref<640xf32, #tpu.memory_space<vmem_shared>>
        tpu.enqueue_dma source(%dma_start3A_149 : memref<640xf32, #tpu.memory_space<vmem_shared>>) target(%arg6 : memref<640xf32, #tpu.memory_space<vmem>>) target_semaphore(%run_scoped3A_146 : memref<!tpu.dma_semaphore, #tpu.memory_space<semaphore_mem>>)
        %dma_wait3A = tpu.memref_slice %arg8[%run_scoped3A_82, %multiple_of3A] : memref<16x10240xf32, #tpu.memory_space<vmem_shared>> -> memref<1x640xf32, #tpu.memory_space<vmem_shared>>
        %dma_wait3A_150 = tpu.memref_squeeze %dma_wait3A : memref<1x640xf32, #tpu.memory_space<vmem_shared>> -> memref<640xf32, #tpu.memory_space<vmem_shared>>
        %dma_wait3A_151 = tpu.memref_slice %arg8[%run_scoped3A_82, %multiple_of3A] : memref<16x10240xf32, #tpu.memory_space<vmem_shared>> -> memref<1x640xf32, #tpu.memory_space<vmem_shared>>
        %dma_wait3A_152 = tpu.memref_squeeze %dma_wait3A_151 : memref<1x640xf32, #tpu.memory_space<vmem_shared>> -> memref<640xf32, #tpu.memory_space<vmem_shared>>
        tpu.wait_dma2 semaphore(%run_scoped3A_146 : memref<!tpu.dma_semaphore, #tpu.memory_space<semaphore_mem>>) src(%dma_wait3A_152 : memref<640xf32, #tpu.memory_space<vmem_shared>>) dst(%arg6 : memref<640xf32, #tpu.memory_space<vmem>>)
        tpu.yield
      }) : () -> ()
      %scan3A_83 = arith.constant 0 : i32
      %scan3A_84 = arith.constant 0 : i32
      %scan3A_85 = arith.constant 40 : i32
      %scan3A_86 = arith.addi %scan3A_84, %scan3A_85 : i32
      %scan3A_87 = arith.constant 1 : i32
      %scan3A_88 = scf.for %scan3A_146 = %scan3A_84 to %scan3A_86 step %scan3A_87 iter_args(%scan3A_147 = %scan3A_83) -> (i32)  : i32 {
        %mul3A_148 = arith.constant 16 : i32
        %mul3A_149 = arith.muli %scan3A_146, %mul3A_148 : i32
        %multiple_of3A_150 = tpu.assume_multiple %mul3A_149, 16 : i32
        %get3A = arith.index_cast %multiple_of3A_150 : i32 to index
        %get3A_151 = tpu.vector_load %arg7[%get3A] {strides = array<i32>} : memref<640xf32, #tpu.memory_space<vmem>>, vector<16xf32>,
        %get3A_152 = arith.index_cast %multiple_of3A_150 : i32 to index
        %get3A_153 = tpu.vector_load %arg6[%get3A_152] {strides = array<i32>} : memref<640xf32, #tpu.memory_space<vmem>>, vector<16xf32>,
        %add3A = arith.addf %get3A_151, %get3A_153 : vector<16xf32>
        %swap3A = arith.index_cast %multiple_of3A_150 : i32 to index
        %swap3A_154 = tpu.vector_load %arg7[%swap3A] {strides = array<i32>} : memref<640xf32, #tpu.memory_space<vmem>>, vector<16xf32>,
        tpu.vector_store %arg7[%swap3A], %add3A {strides = array<i32>} : memref<640xf32, #tpu.memory_space<vmem>>, vector<16xf32>,
        %scan3A_155 = arith.constant 0 : i32
        scf.yield %scan3A_155 : i32
      }
      %scan3A_89 = arith.constant 40 : i32
      %run_scoped3A_90 = arith.constant 9 : i32
      "tpu.region"() ({
        %run_scoped3A_146 = tpu.sem_alloc : memref<!tpu.dma_semaphore, #tpu.memory_space<semaphore_mem>>
        %dma_start3A = tpu.memref_slice %arg8[%run_scoped3A_90, %multiple_of3A] : memref<16x10240xf32, #tpu.memory_space<vmem_shared>> -> memref<1x640xf32, #tpu.memory_space<vmem_shared>>
        %dma_start3A_147 = tpu.memref_squeeze %dma_start3A : memref<1x640xf32, #tpu.memory_space<vmem_shared>> -> memref<640xf32, #tpu.memory_space<vmem_shared>>
        %dma_start3A_148 = tpu.memref_slice %arg8[%run_scoped3A_90, %multiple_of3A] : memref<16x10240xf32, #tpu.memory_space<vmem_shared>> -> memref<1x640xf32, #tpu.memory_space<vmem_shared>>
        %dma_start3A_149 = tpu.memref_squeeze %dma_start3A_148 : memref<1x640xf32, #tpu.memory_space<vmem_shared>> -> memref<640xf32, #tpu.memory_space<vmem_shared>>
        tpu.enqueue_dma source(%dma_start3A_149 : memref<640xf32, #tpu.memory_space<vmem_shared>>) target(%arg6 : memref<640xf32, #tpu.memory_space<vmem>>) target_semaphore(%run_scoped3A_146 : memref<!tpu.dma_semaphore, #tpu.memory_space<semaphore_mem>>)
        %dma_wait3A = tpu.memref_slice %arg8[%run_scoped3A_90, %multiple_of3A] : memref<16x10240xf32, #tpu.memory_space<vmem_shared>> -> memref<1x640xf32, #tpu.memory_space<vmem_shared>>
        %dma_wait3A_150 = tpu.memref_squeeze %dma_wait3A : memref<1x640xf32, #tpu.memory_space<vmem_shared>> -> memref<640xf32, #tpu.memory_space<vmem_shared>>
        %dma_wait3A_151 = tpu.memref_slice %arg8[%run_scoped3A_90, %multiple_of3A] : memref<16x10240xf32, #tpu.memory_space<vmem_shared>> -> memref<1x640xf32, #tpu.memory_space<vmem_shared>>
        %dma_wait3A_152 = tpu.memref_squeeze %dma_wait3A_151 : memref<1x640xf32, #tpu.memory_space<vmem_shared>> -> memref<640xf32, #tpu.memory_space<vmem_shared>>
        tpu.wait_dma2 semaphore(%run_scoped3A_146 : memref<!tpu.dma_semaphore, #tpu.memory_space<semaphore_mem>>) src(%dma_wait3A_152 : memref<640xf32, #tpu.memory_space<vmem_shared>>) dst(%arg6 : memref<640xf32, #tpu.memory_space<vmem>>)
        tpu.yield
      }) : () -> ()
      %scan3A_91 = arith.constant 0 : i32
      %scan3A_92 = arith.constant 0 : i32
      %scan3A_93 = arith.constant 40 : i32
      %scan3A_94 = arith.addi %scan3A_92, %scan3A_93 : i32
      %scan3A_95 = arith.constant 1 : i32
      %scan3A_96 = scf.for %scan3A_146 = %scan3A_92 to %scan3A_94 step %scan3A_95 iter_args(%scan3A_147 = %scan3A_91) -> (i32)  : i32 {
        %mul3A_148 = arith.constant 16 : i32
        %mul3A_149 = arith.muli %scan3A_146, %mul3A_148 : i32
        %multiple_of3A_150 = tpu.assume_multiple %mul3A_149, 16 : i32
        %get3A = arith.index_cast %multiple_of3A_150 : i32 to index
        %get3A_151 = tpu.vector_load %arg7[%get3A] {strides = array<i32>} : memref<640xf32, #tpu.memory_space<vmem>>, vector<16xf32>,
        %get3A_152 = arith.index_cast %multiple_of3A_150 : i32 to index
        %get3A_153 = tpu.vector_load %arg6[%get3A_152] {strides = array<i32>} : memref<640xf32, #tpu.memory_space<vmem>>, vector<16xf32>,
        %add3A = arith.addf %get3A_151, %get3A_153 : vector<16xf32>
        %swap3A = arith.index_cast %multiple_of3A_150 : i32 to index
        %swap3A_154 = tpu.vector_load %arg7[%swap3A] {strides = array<i32>} : memref<640xf32, #tpu.memory_space<vmem>>, vector<16xf32>,
        tpu.vector_store %arg7[%swap3A], %add3A {strides = array<i32>} : memref<640xf32, #tpu.memory_space<vmem>>, vector<16xf32>,
        %scan3A_155 = arith.constant 0 : i32
        scf.yield %scan3A_155 : i32
      }
      %scan3A_97 = arith.constant 40 : i32
      %run_scoped3A_98 = arith.constant 10 : i32
      "tpu.region"() ({
        %run_scoped3A_146 = tpu.sem_alloc : memref<!tpu.dma_semaphore, #tpu.memory_space<semaphore_mem>>
        %dma_start3A = tpu.memref_slice %arg8[%run_scoped3A_98, %multiple_of3A] : memref<16x10240xf32, #tpu.memory_space<vmem_shared>> -> memref<1x640xf32, #tpu.memory_space<vmem_shared>>
        %dma_start3A_147 = tpu.memref_squeeze %dma_start3A : memref<1x640xf32, #tpu.memory_space<vmem_shared>> -> memref<640xf32, #tpu.memory_space<vmem_shared>>
        %dma_start3A_148 = tpu.memref_slice %arg8[%run_scoped3A_98, %multiple_of3A] : memref<16x10240xf32, #tpu.memory_space<vmem_shared>> -> memref<1x640xf32, #tpu.memory_space<vmem_shared>>
        %dma_start3A_149 = tpu.memref_squeeze %dma_start3A_148 : memref<1x640xf32, #tpu.memory_space<vmem_shared>> -> memref<640xf32, #tpu.memory_space<vmem_shared>>
        tpu.enqueue_dma source(%dma_start3A_149 : memref<640xf32, #tpu.memory_space<vmem_shared>>) target(%arg6 : memref<640xf32, #tpu.memory_space<vmem>>) target_semaphore(%run_scoped3A_146 : memref<!tpu.dma_semaphore, #tpu.memory_space<semaphore_mem>>)
        %dma_wait3A = tpu.memref_slice %arg8[%run_scoped3A_98, %multiple_of3A] : memref<16x10240xf32, #tpu.memory_space<vmem_shared>> -> memref<1x640xf32, #tpu.memory_space<vmem_shared>>
        %dma_wait3A_150 = tpu.memref_squeeze %dma_wait3A : memref<1x640xf32, #tpu.memory_space<vmem_shared>> -> memref<640xf32, #tpu.memory_space<vmem_shared>>
        %dma_wait3A_151 = tpu.memref_slice %arg8[%run_scoped3A_98, %multiple_of3A] : memref<16x10240xf32, #tpu.memory_space<vmem_shared>> -> memref<1x640xf32, #tpu.memory_space<vmem_shared>>
        %dma_wait3A_152 = tpu.memref_squeeze %dma_wait3A_151 : memref<1x640xf32, #tpu.memory_space<vmem_shared>> -> memref<640xf32, #tpu.memory_space<vmem_shared>>
        tpu.wait_dma2 semaphore(%run_scoped3A_146 : memref<!tpu.dma_semaphore, #tpu.memory_space<semaphore_mem>>) src(%dma_wait3A_152 : memref<640xf32, #tpu.memory_space<vmem_shared>>) dst(%arg6 : memref<640xf32, #tpu.memory_space<vmem>>)
        tpu.yield
      }) : () -> ()
      %scan3A_99 = arith.constant 0 : i32
      %scan3A_100 = arith.constant 0 : i32
      %scan3A_101 = arith.constant 40 : i32
      %scan3A_102 = arith.addi %scan3A_100, %scan3A_101 : i32
      %scan3A_103 = arith.constant 1 : i32
      %scan3A_104 = scf.for %scan3A_146 = %scan3A_100 to %scan3A_102 step %scan3A_103 iter_args(%scan3A_147 = %scan3A_99) -> (i32)  : i32 {
        %mul3A_148 = arith.constant 16 : i32
        %mul3A_149 = arith.muli %scan3A_146, %mul3A_148 : i32
        %multiple_of3A_150 = tpu.assume_multiple %mul3A_149, 16 : i32
        %get3A = arith.index_cast %multiple_of3A_150 : i32 to index
        %get3A_151 = tpu.vector_load %arg7[%get3A] {strides = array<i32>} : memref<640xf32, #tpu.memory_space<vmem>>, vector<16xf32>,
        %get3A_152 = arith.index_cast %multiple_of3A_150 : i32 to index
        %get3A_153 = tpu.vector_load %arg6[%get3A_152] {strides = array<i32>} : memref<640xf32, #tpu.memory_space<vmem>>, vector<16xf32>,
        %add3A = arith.addf %get3A_151, %get3A_153 : vector<16xf32>
        %swap3A = arith.index_cast %multiple_of3A_150 : i32 to index
        %swap3A_154 = tpu.vector_load %arg7[%swap3A] {strides = array<i32>} : memref<640xf32, #tpu.memory_space<vmem>>, vector<16xf32>,
        tpu.vector_store %arg7[%swap3A], %add3A {strides = array<i32>} : memref<640xf32, #tpu.memory_space<vmem>>, vector<16xf32>,
        %scan3A_155 = arith.constant 0 : i32
        scf.yield %scan3A_155 : i32
      }
      %scan3A_105 = arith.constant 40 : i32
      %run_scoped3A_106 = arith.constant 11 : i32
      "tpu.region"() ({
        %run_scoped3A_146 = tpu.sem_alloc : memref<!tpu.dma_semaphore, #tpu.memory_space<semaphore_mem>>
        %dma_start3A = tpu.memref_slice %arg8[%run_scoped3A_106, %multiple_of3A] : memref<16x10240xf32, #tpu.memory_space<vmem_shared>> -> memref<1x640xf32, #tpu.memory_space<vmem_shared>>
        %dma_start3A_147 = tpu.memref_squeeze %dma_start3A : memref<1x640xf32, #tpu.memory_space<vmem_shared>> -> memref<640xf32, #tpu.memory_space<vmem_shared>>
        %dma_start3A_148 = tpu.memref_slice %arg8[%run_scoped3A_106, %multiple_of3A] : memref<16x10240xf32, #tpu.memory_space<vmem_shared>> -> memref<1x640xf32, #tpu.memory_space<vmem_shared>>
        %dma_start3A_149 = tpu.memref_squeeze %dma_start3A_148 : memref<1x640xf32, #tpu.memory_space<vmem_shared>> -> memref<640xf32, #tpu.memory_space<vmem_shared>>
        tpu.enqueue_dma source(%dma_start3A_149 : memref<640xf32, #tpu.memory_space<vmem_shared>>) target(%arg6 : memref<640xf32, #tpu.memory_space<vmem>>) target_semaphore(%run_scoped3A_146 : memref<!tpu.dma_semaphore, #tpu.memory_space<semaphore_mem>>)
        %dma_wait3A = tpu.memref_slice %arg8[%run_scoped3A_106, %multiple_of3A] : memref<16x10240xf32, #tpu.memory_space<vmem_shared>> -> memref<1x640xf32, #tpu.memory_space<vmem_shared>>
        %dma_wait3A_150 = tpu.memref_squeeze %dma_wait3A : memref<1x640xf32, #tpu.memory_space<vmem_shared>> -> memref<640xf32, #tpu.memory_space<vmem_shared>>
        %dma_wait3A_151 = tpu.memref_slice %arg8[%run_scoped3A_106, %multiple_of3A] : memref<16x10240xf32, #tpu.memory_space<vmem_shared>> -> memref<1x640xf32, #tpu.memory_space<vmem_shared>>
        %dma_wait3A_152 = tpu.memref_squeeze %dma_wait3A_151 : memref<1x640xf32, #tpu.memory_space<vmem_shared>> -> memref<640xf32, #tpu.memory_space<vmem_shared>>
        tpu.wait_dma2 semaphore(%run_scoped3A_146 : memref<!tpu.dma_semaphore, #tpu.memory_space<semaphore_mem>>) src(%dma_wait3A_152 : memref<640xf32, #tpu.memory_space<vmem_shared>>) dst(%arg6 : memref<640xf32, #tpu.memory_space<vmem>>)
        tpu.yield
      }) : () -> ()
      %scan3A_107 = arith.constant 0 : i32
      %scan3A_108 = arith.constant 0 : i32
      %scan3A_109 = arith.constant 40 : i32
      %scan3A_110 = arith.addi %scan3A_108, %scan3A_109 : i32
      %scan3A_111 = arith.constant 1 : i32
      %scan3A_112 = scf.for %scan3A_146 = %scan3A_108 to %scan3A_110 step %scan3A_111 iter_args(%scan3A_147 = %scan3A_107) -> (i32)  : i32 {
        %mul3A_148 = arith.constant 16 : i32
        %mul3A_149 = arith.muli %scan3A_146, %mul3A_148 : i32
        %multiple_of3A_150 = tpu.assume_multiple %mul3A_149, 16 : i32
        %get3A = arith.index_cast %multiple_of3A_150 : i32 to index
        %get3A_151 = tpu.vector_load %arg7[%get3A] {strides = array<i32>} : memref<640xf32, #tpu.memory_space<vmem>>, vector<16xf32>,
        %get3A_152 = arith.index_cast %multiple_of3A_150 : i32 to index
        %get3A_153 = tpu.vector_load %arg6[%get3A_152] {strides = array<i32>} : memref<640xf32, #tpu.memory_space<vmem>>, vector<16xf32>,
        %add3A = arith.addf %get3A_151, %get3A_153 : vector<16xf32>
        %swap3A = arith.index_cast %multiple_of3A_150 : i32 to index
        %swap3A_154 = tpu.vector_load %arg7[%swap3A] {strides = array<i32>} : memref<640xf32, #tpu.memory_space<vmem>>, vector<16xf32>,
        tpu.vector_store %arg7[%swap3A], %add3A {strides = array<i32>} : memref<640xf32, #tpu.memory_space<vmem>>, vector<16xf32>,
        %scan3A_155 = arith.constant 0 : i32
        scf.yield %scan3A_155 : i32
      }
      %scan3A_113 = arith.constant 40 : i32
      %run_scoped3A_114 = arith.constant 12 : i32
      "tpu.region"() ({
        %run_scoped3A_146 = tpu.sem_alloc : memref<!tpu.dma_semaphore, #tpu.memory_space<semaphore_mem>>
        %dma_start3A = tpu.memref_slice %arg8[%run_scoped3A_114, %multiple_of3A] : memref<16x10240xf32, #tpu.memory_space<vmem_shared>> -> memref<1x640xf32, #tpu.memory_space<vmem_shared>>
        %dma_start3A_147 = tpu.memref_squeeze %dma_start3A : memref<1x640xf32, #tpu.memory_space<vmem_shared>> -> memref<640xf32, #tpu.memory_space<vmem_shared>>
        %dma_start3A_148 = tpu.memref_slice %arg8[%run_scoped3A_114, %multiple_of3A] : memref<16x10240xf32, #tpu.memory_space<vmem_shared>> -> memref<1x640xf32, #tpu.memory_space<vmem_shared>>
        %dma_start3A_149 = tpu.memref_squeeze %dma_start3A_148 : memref<1x640xf32, #tpu.memory_space<vmem_shared>> -> memref<640xf32, #tpu.memory_space<vmem_shared>>
        tpu.enqueue_dma source(%dma_start3A_149 : memref<640xf32, #tpu.memory_space<vmem_shared>>) target(%arg6 : memref<640xf32, #tpu.memory_space<vmem>>) target_semaphore(%run_scoped3A_146 : memref<!tpu.dma_semaphore, #tpu.memory_space<semaphore_mem>>)
        %dma_wait3A = tpu.memref_slice %arg8[%run_scoped3A_114, %multiple_of3A] : memref<16x10240xf32, #tpu.memory_space<vmem_shared>> -> memref<1x640xf32, #tpu.memory_space<vmem_shared>>
        %dma_wait3A_150 = tpu.memref_squeeze %dma_wait3A : memref<1x640xf32, #tpu.memory_space<vmem_shared>> -> memref<640xf32, #tpu.memory_space<vmem_shared>>
        %dma_wait3A_151 = tpu.memref_slice %arg8[%run_scoped3A_114, %multiple_of3A] : memref<16x10240xf32, #tpu.memory_space<vmem_shared>> -> memref<1x640xf32, #tpu.memory_space<vmem_shared>>
        %dma_wait3A_152 = tpu.memref_squeeze %dma_wait3A_151 : memref<1x640xf32, #tpu.memory_space<vmem_shared>> -> memref<640xf32, #tpu.memory_space<vmem_shared>>
        tpu.wait_dma2 semaphore(%run_scoped3A_146 : memref<!tpu.dma_semaphore, #tpu.memory_space<semaphore_mem>>) src(%dma_wait3A_152 : memref<640xf32, #tpu.memory_space<vmem_shared>>) dst(%arg6 : memref<640xf32, #tpu.memory_space<vmem>>)
        tpu.yield
      }) : () -> ()
      %scan3A_115 = arith.constant 0 : i32
      %scan3A_116 = arith.constant 0 : i32
      %scan3A_117 = arith.constant 40 : i32
      %scan3A_118 = arith.addi %scan3A_116, %scan3A_117 : i32
      %scan3A_119 = arith.constant 1 : i32
      %scan3A_120 = scf.for %scan3A_146 = %scan3A_116 to %scan3A_118 step %scan3A_119 iter_args(%scan3A_147 = %scan3A_115) -> (i32)  : i32 {
        %mul3A_148 = arith.constant 16 : i32
        %mul3A_149 = arith.muli %scan3A_146, %mul3A_148 : i32
        %multiple_of3A_150 = tpu.assume_multiple %mul3A_149, 16 : i32
        %get3A = arith.index_cast %multiple_of3A_150 : i32 to index
        %get3A_151 = tpu.vector_load %arg7[%get3A] {strides = array<i32>} : memref<640xf32, #tpu.memory_space<vmem>>, vector<16xf32>,
        %get3A_152 = arith.index_cast %multiple_of3A_150 : i32 to index
        %get3A_153 = tpu.vector_load %arg6[%get3A_152] {strides = array<i32>} : memref<640xf32, #tpu.memory_space<vmem>>, vector<16xf32>,
        %add3A = arith.addf %get3A_151, %get3A_153 : vector<16xf32>
        %swap3A = arith.index_cast %multiple_of3A_150 : i32 to index
        %swap3A_154 = tpu.vector_load %arg7[%swap3A] {strides = array<i32>} : memref<640xf32, #tpu.memory_space<vmem>>, vector<16xf32>,
        tpu.vector_store %arg7[%swap3A], %add3A {strides = array<i32>} : memref<640xf32, #tpu.memory_space<vmem>>, vector<16xf32>,
        %scan3A_155 = arith.constant 0 : i32
        scf.yield %scan3A_155 : i32
      }
      %scan3A_121 = arith.constant 40 : i32
      %run_scoped3A_122 = arith.constant 13 : i32
      "tpu.region"() ({
        %run_scoped3A_146 = tpu.sem_alloc : memref<!tpu.dma_semaphore, #tpu.memory_space<semaphore_mem>>
        %dma_start3A = tpu.memref_slice %arg8[%run_scoped3A_122, %multiple_of3A] : memref<16x10240xf32, #tpu.memory_space<vmem_shared>> -> memref<1x640xf32, #tpu.memory_space<vmem_shared>>
        %dma_start3A_147 = tpu.memref_squeeze %dma_start3A : memref<1x640xf32, #tpu.memory_space<vmem_shared>> -> memref<640xf32, #tpu.memory_space<vmem_shared>>
        %dma_start3A_148 = tpu.memref_slice %arg8[%run_scoped3A_122, %multiple_of3A] : memref<16x10240xf32, #tpu.memory_space<vmem_shared>> -> memref<1x640xf32, #tpu.memory_space<vmem_shared>>
        %dma_start3A_149 = tpu.memref_squeeze %dma_start3A_148 : memref<1x640xf32, #tpu.memory_space<vmem_shared>> -> memref<640xf32, #tpu.memory_space<vmem_shared>>
        tpu.enqueue_dma source(%dma_start3A_149 : memref<640xf32, #tpu.memory_space<vmem_shared>>) target(%arg6 : memref<640xf32, #tpu.memory_space<vmem>>) target_semaphore(%run_scoped3A_146 : memref<!tpu.dma_semaphore, #tpu.memory_space<semaphore_mem>>)
        %dma_wait3A = tpu.memref_slice %arg8[%run_scoped3A_122, %multiple_of3A] : memref<16x10240xf32, #tpu.memory_space<vmem_shared>> -> memref<1x640xf32, #tpu.memory_space<vmem_shared>>
        %dma_wait3A_150 = tpu.memref_squeeze %dma_wait3A : memref<1x640xf32, #tpu.memory_space<vmem_shared>> -> memref<640xf32, #tpu.memory_space<vmem_shared>>
        %dma_wait3A_151 = tpu.memref_slice %arg8[%run_scoped3A_122, %multiple_of3A] : memref<16x10240xf32, #tpu.memory_space<vmem_shared>> -> memref<1x640xf32, #tpu.memory_space<vmem_shared>>
        %dma_wait3A_152 = tpu.memref_squeeze %dma_wait3A_151 : memref<1x640xf32, #tpu.memory_space<vmem_shared>> -> memref<640xf32, #tpu.memory_space<vmem_shared>>
        tpu.wait_dma2 semaphore(%run_scoped3A_146 : memref<!tpu.dma_semaphore, #tpu.memory_space<semaphore_mem>>) src(%dma_wait3A_152 : memref<640xf32, #tpu.memory_space<vmem_shared>>) dst(%arg6 : memref<640xf32, #tpu.memory_space<vmem>>)
        tpu.yield
      }) : () -> ()
      %scan3A_123 = arith.constant 0 : i32
      %scan3A_124 = arith.constant 0 : i32
      %scan3A_125 = arith.constant 40 : i32
      %scan3A_126 = arith.addi %scan3A_124, %scan3A_125 : i32
      %scan3A_127 = arith.constant 1 : i32
      %scan3A_128 = scf.for %scan3A_146 = %scan3A_124 to %scan3A_126 step %scan3A_127 iter_args(%scan3A_147 = %scan3A_123) -> (i32)  : i32 {
        %mul3A_148 = arith.constant 16 : i32
        %mul3A_149 = arith.muli %scan3A_146, %mul3A_148 : i32
        %multiple_of3A_150 = tpu.assume_multiple %mul3A_149, 16 : i32
        %get3A = arith.index_cast %multiple_of3A_150 : i32 to index
        %get3A_151 = tpu.vector_load %arg7[%get3A] {strides = array<i32>} : memref<640xf32, #tpu.memory_space<vmem>>, vector<16xf32>,
        %get3A_152 = arith.index_cast %multiple_of3A_150 : i32 to index
        %get3A_153 = tpu.vector_load %arg6[%get3A_152] {strides = array<i32>} : memref<640xf32, #tpu.memory_space<vmem>>, vector<16xf32>,
        %add3A = arith.addf %get3A_151, %get3A_153 : vector<16xf32>
        %swap3A = arith.index_cast %multiple_of3A_150 : i32 to index
        %swap3A_154 = tpu.vector_load %arg7[%swap3A] {strides = array<i32>} : memref<640xf32, #tpu.memory_space<vmem>>, vector<16xf32>,
        tpu.vector_store %arg7[%swap3A], %add3A {strides = array<i32>} : memref<640xf32, #tpu.memory_space<vmem>>, vector<16xf32>,
        %scan3A_155 = arith.constant 0 : i32
        scf.yield %scan3A_155 : i32
      }
      %scan3A_129 = arith.constant 40 : i32
      %run_scoped3A_130 = arith.constant 14 : i32
      "tpu.region"() ({
        %run_scoped3A_146 = tpu.sem_alloc : memref<!tpu.dma_semaphore, #tpu.memory_space<semaphore_mem>>
        %dma_start3A = tpu.memref_slice %arg8[%run_scoped3A_130, %multiple_of3A] : memref<16x10240xf32, #tpu.memory_space<vmem_shared>> -> memref<1x640xf32, #tpu.memory_space<vmem_shared>>
        %dma_start3A_147 = tpu.memref_squeeze %dma_start3A : memref<1x640xf32, #tpu.memory_space<vmem_shared>> -> memref<640xf32, #tpu.memory_space<vmem_shared>>
        %dma_start3A_148 = tpu.memref_slice %arg8[%run_scoped3A_130, %multiple_of3A] : memref<16x10240xf32, #tpu.memory_space<vmem_shared>> -> memref<1x640xf32, #tpu.memory_space<vmem_shared>>
        %dma_start3A_149 = tpu.memref_squeeze %dma_start3A_148 : memref<1x640xf32, #tpu.memory_space<vmem_shared>> -> memref<640xf32, #tpu.memory_space<vmem_shared>>
        tpu.enqueue_dma source(%dma_start3A_149 : memref<640xf32, #tpu.memory_space<vmem_shared>>) target(%arg6 : memref<640xf32, #tpu.memory_space<vmem>>) target_semaphore(%run_scoped3A_146 : memref<!tpu.dma_semaphore, #tpu.memory_space<semaphore_mem>>)
        %dma_wait3A = tpu.memref_slice %arg8[%run_scoped3A_130, %multiple_of3A] : memref<16x10240xf32, #tpu.memory_space<vmem_shared>> -> memref<1x640xf32, #tpu.memory_space<vmem_shared>>
        %dma_wait3A_150 = tpu.memref_squeeze %dma_wait3A : memref<1x640xf32, #tpu.memory_space<vmem_shared>> -> memref<640xf32, #tpu.memory_space<vmem_shared>>
        %dma_wait3A_151 = tpu.memref_slice %arg8[%run_scoped3A_130, %multiple_of3A] : memref<16x10240xf32, #tpu.memory_space<vmem_shared>> -> memref<1x640xf32, #tpu.memory_space<vmem_shared>>
        %dma_wait3A_152 = tpu.memref_squeeze %dma_wait3A_151 : memref<1x640xf32, #tpu.memory_space<vmem_shared>> -> memref<640xf32, #tpu.memory_space<vmem_shared>>
        tpu.wait_dma2 semaphore(%run_scoped3A_146 : memref<!tpu.dma_semaphore, #tpu.memory_space<semaphore_mem>>) src(%dma_wait3A_152 : memref<640xf32, #tpu.memory_space<vmem_shared>>) dst(%arg6 : memref<640xf32, #tpu.memory_space<vmem>>)
        tpu.yield
      }) : () -> ()
      %scan3A_131 = arith.constant 0 : i32
      %scan3A_132 = arith.constant 0 : i32
      %scan3A_133 = arith.constant 40 : i32
      %scan3A_134 = arith.addi %scan3A_132, %scan3A_133 : i32
      %scan3A_135 = arith.constant 1 : i32
      %scan3A_136 = scf.for %scan3A_146 = %scan3A_132 to %scan3A_134 step %scan3A_135 iter_args(%scan3A_147 = %scan3A_131) -> (i32)  : i32 {
        %mul3A_148 = arith.constant 16 : i32
        %mul3A_149 = arith.muli %scan3A_146, %mul3A_148 : i32
        %multiple_of3A_150 = tpu.assume_multiple %mul3A_149, 16 : i32
        %get3A = arith.index_cast %multiple_of3A_150 : i32 to index
        %get3A_151 = tpu.vector_load %arg7[%get3A] {strides = array<i32>} : memref<640xf32, #tpu.memory_space<vmem>>, vector<16xf32>,
        %get3A_152 = arith.index_cast %multiple_of3A_150 : i32 to index
        %get3A_153 = tpu.vector_load %arg6[%get3A_152] {strides = array<i32>} : memref<640xf32, #tpu.memory_space<vmem>>, vector<16xf32>,
        %add3A = arith.addf %get3A_151, %get3A_153 : vector<16xf32>
        %swap3A = arith.index_cast %multiple_of3A_150 : i32 to index
        %swap3A_154 = tpu.vector_load %arg7[%swap3A] {strides = array<i32>} : memref<640xf32, #tpu.memory_space<vmem>>, vector<16xf32>,
        tpu.vector_store %arg7[%swap3A], %add3A {strides = array<i32>} : memref<640xf32, #tpu.memory_space<vmem>>, vector<16xf32>,
        %scan3A_155 = arith.constant 0 : i32
        scf.yield %scan3A_155 : i32
      }
      %scan3A_137 = arith.constant 40 : i32
      %run_scoped3A_138 = arith.constant 15 : i32
      "tpu.region"() ({
        %run_scoped3A_146 = tpu.sem_alloc : memref<!tpu.dma_semaphore, #tpu.memory_space<semaphore_mem>>
        %dma_start3A = tpu.memref_slice %arg8[%run_scoped3A_138, %multiple_of3A] : memref<16x10240xf32, #tpu.memory_space<vmem_shared>> -> memref<1x640xf32, #tpu.memory_space<vmem_shared>>
        %dma_start3A_147 = tpu.memref_squeeze %dma_start3A : memref<1x640xf32, #tpu.memory_space<vmem_shared>> -> memref<640xf32, #tpu.memory_space<vmem_shared>>
        %dma_start3A_148 = tpu.memref_slice %arg8[%run_scoped3A_138, %multiple_of3A] : memref<16x10240xf32, #tpu.memory_space<vmem_shared>> -> memref<1x640xf32, #tpu.memory_space<vmem_shared>>
        %dma_start3A_149 = tpu.memref_squeeze %dma_start3A_148 : memref<1x640xf32, #tpu.memory_space<vmem_shared>> -> memref<640xf32, #tpu.memory_space<vmem_shared>>
        tpu.enqueue_dma source(%dma_start3A_149 : memref<640xf32, #tpu.memory_space<vmem_shared>>) target(%arg6 : memref<640xf32, #tpu.memory_space<vmem>>) target_semaphore(%run_scoped3A_146 : memref<!tpu.dma_semaphore, #tpu.memory_space<semaphore_mem>>)
        %dma_wait3A = tpu.memref_slice %arg8[%run_scoped3A_138, %multiple_of3A] : memref<16x10240xf32, #tpu.memory_space<vmem_shared>> -> memref<1x640xf32, #tpu.memory_space<vmem_shared>>
        %dma_wait3A_150 = tpu.memref_squeeze %dma_wait3A : memref<1x640xf32, #tpu.memory_space<vmem_shared>> -> memref<640xf32, #tpu.memory_space<vmem_shared>>
        %dma_wait3A_151 = tpu.memref_slice %arg8[%run_scoped3A_138, %multiple_of3A] : memref<16x10240xf32, #tpu.memory_space<vmem_shared>> -> memref<1x640xf32, #tpu.memory_space<vmem_shared>>
        %dma_wait3A_152 = tpu.memref_squeeze %dma_wait3A_151 : memref<1x640xf32, #tpu.memory_space<vmem_shared>> -> memref<640xf32, #tpu.memory_space<vmem_shared>>
        tpu.wait_dma2 semaphore(%run_scoped3A_146 : memref<!tpu.dma_semaphore, #tpu.memory_space<semaphore_mem>>) src(%dma_wait3A_152 : memref<640xf32, #tpu.memory_space<vmem_shared>>) dst(%arg6 : memref<640xf32, #tpu.memory_space<vmem>>)
        tpu.yield
      }) : () -> ()
      %scan3A_139 = arith.constant 0 : i32
      %scan3A_140 = arith.constant 0 : i32
      %scan3A_141 = arith.constant 40 : i32
      %scan3A_142 = arith.addi %scan3A_140, %scan3A_141 : i32
      %scan3A_143 = arith.constant 1 : i32
      %scan3A_144 = scf.for %scan3A_146 = %scan3A_140 to %scan3A_142 step %scan3A_143 iter_args(%scan3A_147 = %scan3A_139) -> (i32)  : i32 {
        %mul3A_148 = arith.constant 16 : i32
        %mul3A_149 = arith.muli %scan3A_146, %mul3A_148 : i32
        %multiple_of3A_150 = tpu.assume_multiple %mul3A_149, 16 : i32
        %get3A = arith.index_cast %multiple_of3A_150 : i32 to index
        %get3A_151 = tpu.vector_load %arg7[%get3A] {strides = array<i32>} : memref<640xf32, #tpu.memory_space<vmem>>, vector<16xf32>,
        %get3A_152 = arith.index_cast %multiple_of3A_150 : i32 to index
        %get3A_153 = tpu.vector_load %arg6[%get3A_152] {strides = array<i32>} : memref<640xf32, #tpu.memory_space<vmem>>, vector<16xf32>,
        %add3A = arith.addf %get3A_151, %get3A_153 : vector<16xf32>
        %swap3A = arith.index_cast %multiple_of3A_150 : i32 to index
        %swap3A_154 = tpu.vector_load %arg7[%swap3A] {strides = array<i32>} : memref<640xf32, #tpu.memory_space<vmem>>, vector<16xf32>,
        tpu.vector_store %arg7[%swap3A], %add3A {strides = array<i32>} : memref<640xf32, #tpu.memory_space<vmem>>, vector<16xf32>,
        %scan3A_155 = arith.constant 0 : i32
        scf.yield %scan3A_155 : i32
      }
      %scan3A_145 = arith.constant 40 : i32
      "tpu.region"() ({
        %run_scoped3A_146 = tpu.sem_alloc : memref<!tpu.dma_semaphore, #tpu.memory_space<semaphore_mem>>
        %dma_start3A = tpu.memref_slice %arg3[%multiple_of3A] : memref<10240xf32, #tpu.memory_space<hbm>> -> memref<640xf32, #tpu.memory_space<hbm>>
        %dma_start3A_147 = tpu.memref_slice %arg3[%multiple_of3A] : memref<10240xf32, #tpu.memory_space<hbm>> -> memref<640xf32, #tpu.memory_space<hbm>>
        tpu.enqueue_dma source(%arg7 : memref<640xf32, #tpu.memory_space<vmem>>) target(%dma_start3A_147 : memref<640xf32, #tpu.memory_space<hbm>>) target_semaphore(%run_scoped3A_146 : memref<!tpu.dma_semaphore, #tpu.memory_space<semaphore_mem>>)
        %dma_wait3A = tpu.memref_slice %arg3[%multiple_of3A] : memref<10240xf32, #tpu.memory_space<hbm>> -> memref<640xf32, #tpu.memory_space<hbm>>
        %dma_wait3A_148 = tpu.memref_slice %arg3[%multiple_of3A] : memref<10240xf32, #tpu.memory_space<hbm>> -> memref<640xf32, #tpu.memory_space<hbm>>
        tpu.wait_dma2 semaphore(%run_scoped3A_146 : memref<!tpu.dma_semaphore, #tpu.memory_space<semaphore_mem>>) src(%arg7 : memref<640xf32, #tpu.memory_space<vmem>>) dst(%dma_wait3A_148 : memref<640xf32, #tpu.memory_space<hbm>>)
        tpu.yield
      }) : () -> ()
    } else {
    }
    return
  }
}

#map = affine_map<(d0, d1) -> (0, 0)>
#map1 = affine_map<(d0, d1) -> (0, 0, 0)>
module attributes {stable_mosaic.version = 14 : i64} {
  func.func @_agg_kernel(%arg0: i32, %arg1: i32, %arg2: memref<10000x64xf32, #tpu.memory_space<hbm>>, %arg3: memref<10000x64xf32, #tpu.memory_space<hbm>>, %arg4: memref<16x157x128xi32, #tpu.memory_space<hbm>>, %arg5: memref<16x157x128xi32, #tpu.memory_space<hbm>>, %arg6: memref<10000x64xf32, #tpu.memory_space<hbm>>, %arg7: memref<10000x64xf32, #tpu.memory_space<hbm>>, %arg8: memref<157x128xi32, #tpu.memory_space<vmem>>, %arg9: memref<157x128xi32, #tpu.memory_space<vmem>>, %arg10: memref<128x64xf32, #tpu.memory_space<vmem>>, %arg11: memref<10016x64xf32, #tpu.memory_space<vmem_shared>>, %arg12: memref<!tpu.dma_semaphore, #tpu.memory_space<semaphore_mem>>) attributes {dimension_semantics = [#tpu.dimension_semantics<core_parallel>, #tpu.dimension_semantics<subcore_parallel>], iteration_bounds = array<i64: 2, 16>, scalar_prefetch = 0 : i64, scratch_operands = 5 : i64, tpu.core_type = #tpu.core_type<sc_vector_subcore>, window_params = [{transform_indices = #map}, {transform_indices = #map}, {transform_indices = #map1}, {transform_indices = #map1}, {transform_indices = #map}, {transform_indices = #map}]} {
    "tpu.region"() ({
      %run_scoped3A = tpu.sem_alloc : memref<!tpu.dma_semaphore, #tpu.memory_space<semaphore_mem>>
      %dma_start3A = arith.constant 0 : i32
      %dma_start3A_7 = arith.constant 0 : i32
      %dma_start3A_8 = tpu.memref_slice %arg4[%arg1, %dma_start3A, %dma_start3A_7] : memref<16x157x128xi32, #tpu.memory_space<hbm>> -> memref<1x157x128xi32, #tpu.memory_space<hbm>>
      %dma_start3A_9 = tpu.memref_squeeze %dma_start3A_8 : memref<1x157x128xi32, #tpu.memory_space<hbm>> -> memref<157x128xi32, #tpu.memory_space<hbm>>
      %dma_start3A_10 = arith.constant 0 : i32
      %dma_start3A_11 = arith.constant 0 : i32
      %dma_start3A_12 = tpu.memref_slice %arg4[%arg1, %dma_start3A_10, %dma_start3A_11] : memref<16x157x128xi32, #tpu.memory_space<hbm>> -> memref<1x157x128xi32, #tpu.memory_space<hbm>>
      %dma_start3A_13 = tpu.memref_squeeze %dma_start3A_12 : memref<1x157x128xi32, #tpu.memory_space<hbm>> -> memref<157x128xi32, #tpu.memory_space<hbm>>
      tpu.enqueue_dma source(%dma_start3A_13 : memref<157x128xi32, #tpu.memory_space<hbm>>) target(%arg8 : memref<157x128xi32, #tpu.memory_space<vmem>>) target_semaphore(%run_scoped3A : memref<!tpu.dma_semaphore, #tpu.memory_space<semaphore_mem>>)
      %dma_wait3A = arith.constant 0 : i32
      %dma_wait3A_14 = arith.constant 0 : i32
      %dma_wait3A_15 = tpu.memref_slice %arg4[%arg1, %dma_wait3A, %dma_wait3A_14] : memref<16x157x128xi32, #tpu.memory_space<hbm>> -> memref<1x157x128xi32, #tpu.memory_space<hbm>>
      %dma_wait3A_16 = tpu.memref_squeeze %dma_wait3A_15 : memref<1x157x128xi32, #tpu.memory_space<hbm>> -> memref<157x128xi32, #tpu.memory_space<hbm>>
      %dma_wait3A_17 = arith.constant 0 : i32
      %dma_wait3A_18 = arith.constant 0 : i32
      %dma_wait3A_19 = tpu.memref_slice %arg4[%arg1, %dma_wait3A_17, %dma_wait3A_18] : memref<16x157x128xi32, #tpu.memory_space<hbm>> -> memref<1x157x128xi32, #tpu.memory_space<hbm>>
      %dma_wait3A_20 = tpu.memref_squeeze %dma_wait3A_19 : memref<1x157x128xi32, #tpu.memory_space<hbm>> -> memref<157x128xi32, #tpu.memory_space<hbm>>
      tpu.wait_dma2 semaphore(%run_scoped3A : memref<!tpu.dma_semaphore, #tpu.memory_space<semaphore_mem>>) src(%dma_wait3A_20 : memref<157x128xi32, #tpu.memory_space<hbm>>) dst(%arg8 : memref<157x128xi32, #tpu.memory_space<vmem>>)
      tpu.yield
    }) : () -> ()
    "tpu.region"() ({
      %run_scoped3A = tpu.sem_alloc : memref<!tpu.dma_semaphore, #tpu.memory_space<semaphore_mem>>
      %dma_start3A = arith.constant 0 : i32
      %dma_start3A_7 = arith.constant 0 : i32
      %dma_start3A_8 = tpu.memref_slice %arg5[%arg1, %dma_start3A, %dma_start3A_7] : memref<16x157x128xi32, #tpu.memory_space<hbm>> -> memref<1x157x128xi32, #tpu.memory_space<hbm>>
      %dma_start3A_9 = tpu.memref_squeeze %dma_start3A_8 : memref<1x157x128xi32, #tpu.memory_space<hbm>> -> memref<157x128xi32, #tpu.memory_space<hbm>>
      %dma_start3A_10 = arith.constant 0 : i32
      %dma_start3A_11 = arith.constant 0 : i32
      %dma_start3A_12 = tpu.memref_slice %arg5[%arg1, %dma_start3A_10, %dma_start3A_11] : memref<16x157x128xi32, #tpu.memory_space<hbm>> -> memref<1x157x128xi32, #tpu.memory_space<hbm>>
      %dma_start3A_13 = tpu.memref_squeeze %dma_start3A_12 : memref<1x157x128xi32, #tpu.memory_space<hbm>> -> memref<157x128xi32, #tpu.memory_space<hbm>>
      tpu.enqueue_dma source(%dma_start3A_13 : memref<157x128xi32, #tpu.memory_space<hbm>>) target(%arg9 : memref<157x128xi32, #tpu.memory_space<vmem>>) target_semaphore(%run_scoped3A : memref<!tpu.dma_semaphore, #tpu.memory_space<semaphore_mem>>)
      %dma_wait3A = arith.constant 0 : i32
      %dma_wait3A_14 = arith.constant 0 : i32
      %dma_wait3A_15 = tpu.memref_slice %arg5[%arg1, %dma_wait3A, %dma_wait3A_14] : memref<16x157x128xi32, #tpu.memory_space<hbm>> -> memref<1x157x128xi32, #tpu.memory_space<hbm>>
      %dma_wait3A_16 = tpu.memref_squeeze %dma_wait3A_15 : memref<1x157x128xi32, #tpu.memory_space<hbm>> -> memref<157x128xi32, #tpu.memory_space<hbm>>
      %dma_wait3A_17 = arith.constant 0 : i32
      %dma_wait3A_18 = arith.constant 0 : i32
      %dma_wait3A_19 = tpu.memref_slice %arg5[%arg1, %dma_wait3A_17, %dma_wait3A_18] : memref<16x157x128xi32, #tpu.memory_space<hbm>> -> memref<1x157x128xi32, #tpu.memory_space<hbm>>
      %dma_wait3A_20 = tpu.memref_squeeze %dma_wait3A_19 : memref<1x157x128xi32, #tpu.memory_space<hbm>> -> memref<157x128xi32, #tpu.memory_space<hbm>>
      tpu.wait_dma2 semaphore(%run_scoped3A : memref<!tpu.dma_semaphore, #tpu.memory_space<semaphore_mem>>) src(%dma_wait3A_20 : memref<157x128xi32, #tpu.memory_space<hbm>>) dst(%arg9 : memref<157x128xi32, #tpu.memory_space<vmem>>)
      tpu.yield
    }) : () -> ()
    %eq3A = arith.constant 0 : i32
    %eq3A_0 = arith.cmpi eq, %arg0, %eq3A : i32
    %convert_element_type3A = arith.extui %eq3A_0 : i1 to i32
    %cond3A = arith.constant 0 : i32
    %cond3A_1 = arith.cmpi ne, %convert_element_type3A, %cond3A : i32
    scf.if %cond3A_1 {
      %mul3A = arith.constant 625 : i32
      %mul3A_7 = arith.muli %arg1, %mul3A : i32
      "tpu.region"() ({
        %run_scoped3A = tpu.sem_alloc : memref<!tpu.dma_semaphore, #tpu.memory_space<semaphore_mem>>
        %dma_start3A = arith.constant 0 : i32
        %dma_start3A_15 = tpu.memref_slice %arg11[%mul3A_7, %dma_start3A] : memref<10016x64xf32, #tpu.memory_space<vmem_shared>> -> memref<625x64xf32, #tpu.memory_space<vmem_shared>>
        %dma_start3A_16 = arith.constant 0 : i32
        %dma_start3A_17 = tpu.memref_slice %arg2[%mul3A_7, %dma_start3A_16] : memref<10000x64xf32, #tpu.memory_space<hbm>> -> memref<625x64xf32, #tpu.memory_space<hbm>>
        tpu.enqueue_dma source(%dma_start3A_17 : memref<625x64xf32, #tpu.memory_space<hbm>>) target(%dma_start3A_15 : memref<625x64xf32, #tpu.memory_space<vmem_shared>>) target_semaphore(%run_scoped3A : memref<!tpu.dma_semaphore, #tpu.memory_space<semaphore_mem>>)
        %dma_wait3A = arith.constant 0 : i32
        %dma_wait3A_18 = tpu.memref_slice %arg11[%mul3A_7, %dma_wait3A] : memref<10016x64xf32, #tpu.memory_space<vmem_shared>> -> memref<625x64xf32, #tpu.memory_space<vmem_shared>>
        %dma_wait3A_19 = arith.constant 0 : i32
        %dma_wait3A_20 = tpu.memref_slice %arg2[%mul3A_7, %dma_wait3A_19] : memref<10000x64xf32, #tpu.memory_space<hbm>> -> memref<625x64xf32, #tpu.memory_space<hbm>>
        tpu.wait_dma2 semaphore(%run_scoped3A : memref<!tpu.dma_semaphore, #tpu.memory_space<semaphore_mem>>) src(%dma_wait3A_20 : memref<625x64xf32, #tpu.memory_space<hbm>>) dst(%dma_wait3A_18 : memref<625x64xf32, #tpu.memory_space<vmem_shared>>)
        tpu.yield
      }) : () -> ()
      %barrier3A = arith.constant 0 : index
      tpu.barrier barrier_id(%barrier3A)
      %scan3A = arith.constant 0 : i32
      %scan3A_8 = arith.constant 0 : i32
      %scan3A_9 = arith.constant 157 : i32
      %scan3A_10 = arith.addi %scan3A_8, %scan3A_9 : i32
      %scan3A_11 = arith.constant 1 : i32
      %scan3A_12 = scf.for %scan3A_15 = %scan3A_8 to %scan3A_10 step %scan3A_11 iter_args(%scan3A_16 = %scan3A) -> (i32)  : i32 {
        %dma_start3A = arith.constant 0 : i32
        %dma_start3A_17 = tpu.memref_slice %arg8[%scan3A_15, %dma_start3A] : memref<157x128xi32, #tpu.memory_space<vmem>> -> memref<1x128xi32, #tpu.memory_space<vmem>>
        %dma_start3A_18 = tpu.memref_squeeze %dma_start3A_17 : memref<1x128xi32, #tpu.memory_space<vmem>> -> memref<128xi32, #tpu.memory_space<vmem>>
        %dma_start3A_19 = arith.constant 0 : i32
        %dma_start3A_20 = arith.constant 0 : i32
        %dma_start3A_21 = tpu.memref_slice %arg2[%dma_start3A_19, %dma_start3A_20] : memref<10000x64xf32, #tpu.memory_space<hbm>> -> memref<10000x64xf32, #tpu.memory_space<hbm>>
        tpu.enqueue_indirect_dma source(%dma_start3A_21 : memref<10000x64xf32, #tpu.memory_space<hbm>>) target(%arg10 : memref<128x64xf32, #tpu.memory_space<vmem>>) offsets(%dma_start3A_18 : memref<128xi32, #tpu.memory_space<vmem>>) semaphore(%arg12 : memref<!tpu.dma_semaphore, #tpu.memory_space<semaphore_mem>>)
        %dma_wait3A = arith.constant 0 : i32
        %dma_wait3A_22 = tpu.memref_slice %arg8[%scan3A_15, %dma_wait3A] : memref<157x128xi32, #tpu.memory_space<vmem>> -> memref<1x128xi32, #tpu.memory_space<vmem>>
        %dma_wait3A_23 = tpu.memref_squeeze %dma_wait3A_22 : memref<1x128xi32, #tpu.memory_space<vmem>> -> memref<128xi32, #tpu.memory_space<vmem>>
        %dma_wait3A_24 = arith.constant 0 : i32
        %dma_wait3A_25 = arith.constant 0 : i32
        %dma_wait3A_26 = tpu.memref_slice %arg2[%dma_wait3A_24, %dma_wait3A_25] : memref<10000x64xf32, #tpu.memory_space<hbm>> -> memref<10000x64xf32, #tpu.memory_space<hbm>>
        tpu.wait_indirect_dma semaphore(%arg12 : memref<!tpu.dma_semaphore, #tpu.memory_space<semaphore_mem>>) src(%dma_wait3A_26 : memref<10000x64xf32, #tpu.memory_space<hbm>>) dst(%arg10 : memref<128x64xf32, #tpu.memory_space<vmem>>)
        "tpu.region"() ({
          %run_scoped3A = tpu.sem_alloc : memref<!tpu.dma_semaphore, #tpu.memory_space<semaphore_mem>>
          %dma_start3A_28 = arith.constant 0 : i32
          %dma_start3A_29 = tpu.memref_slice %arg9[%scan3A_15, %dma_start3A_28] : memref<157x128xi32, #tpu.memory_space<vmem>> -> memref<1x128xi32, #tpu.memory_space<vmem>>
          %dma_start3A_30 = tpu.memref_squeeze %dma_start3A_29 : memref<1x128xi32, #tpu.memory_space<vmem>> -> memref<128xi32, #tpu.memory_space<vmem>>
          %dma_start3A_31 = arith.constant 0 : i32
          %dma_start3A_32 = arith.constant 0 : i32
          %dma_start3A_33 = tpu.memref_slice %arg11[%dma_start3A_31, %dma_start3A_32] : memref<10016x64xf32, #tpu.memory_space<vmem_shared>> -> memref<10016x64xf32, #tpu.memory_space<vmem_shared>>
          tpu.enqueue_indirect_dma source(%arg10 : memref<128x64xf32, #tpu.memory_space<vmem>>) target(%dma_start3A_33 : memref<10016x64xf32, #tpu.memory_space<vmem_shared>>) offsets(%dma_start3A_30 : memref<128xi32, #tpu.memory_space<vmem>>) semaphore(%run_scoped3A : memref<!tpu.dma_semaphore, #tpu.memory_space<semaphore_mem>>) {add = true}
          %dma_wait3A_34 = arith.constant 0 : i32
          %dma_wait3A_35 = tpu.memref_slice %arg9[%scan3A_15, %dma_wait3A_34] : memref<157x128xi32, #tpu.memory_space<vmem>> -> memref<1x128xi32, #tpu.memory_space<vmem>>
          %dma_wait3A_36 = tpu.memref_squeeze %dma_wait3A_35 : memref<1x128xi32, #tpu.memory_space<vmem>> -> memref<128xi32, #tpu.memory_space<vmem>>
          %dma_wait3A_37 = arith.constant 0 : i32
          %dma_wait3A_38 = arith.constant 0 : i32
          %dma_wait3A_39 = tpu.memref_slice %arg11[%dma_wait3A_37, %dma_wait3A_38] : memref<10016x64xf32, #tpu.memory_space<vmem_shared>> -> memref<10016x64xf32, #tpu.memory_space<vmem_shared>>
          tpu.wait_indirect_dma semaphore(%run_scoped3A : memref<!tpu.dma_semaphore, #tpu.memory_space<semaphore_mem>>) src(%arg10 : memref<128x64xf32, #tpu.memory_space<vmem>>) dst(%dma_wait3A_39 : memref<10016x64xf32, #tpu.memory_space<vmem_shared>>)
          tpu.yield
        }) : () -> ()
        %scan3A_27 = arith.constant 0 : i32
        scf.yield %scan3A_27 : i32
      }
      %scan3A_13 = arith.constant 157 : i32
      %barrier3A_14 = arith.constant 0 : index
      tpu.barrier barrier_id(%barrier3A_14)
      "tpu.region"() ({
        %run_scoped3A = tpu.sem_alloc : memref<!tpu.dma_semaphore, #tpu.memory_space<semaphore_mem>>
        %dma_start3A = arith.constant 0 : i32
        %dma_start3A_15 = tpu.memref_slice %arg6[%mul3A_7, %dma_start3A] : memref<10000x64xf32, #tpu.memory_space<hbm>> -> memref<625x64xf32, #tpu.memory_space<hbm>>
        %dma_start3A_16 = arith.constant 0 : i32
        %dma_start3A_17 = tpu.memref_slice %arg11[%mul3A_7, %dma_start3A_16] : memref<10016x64xf32, #tpu.memory_space<vmem_shared>> -> memref<625x64xf32, #tpu.memory_space<vmem_shared>>
        tpu.enqueue_dma source(%dma_start3A_17 : memref<625x64xf32, #tpu.memory_space<vmem_shared>>) target(%dma_start3A_15 : memref<625x64xf32, #tpu.memory_space<hbm>>) target_semaphore(%run_scoped3A : memref<!tpu.dma_semaphore, #tpu.memory_space<semaphore_mem>>)
        %dma_wait3A = arith.constant 0 : i32
        %dma_wait3A_18 = tpu.memref_slice %arg6[%mul3A_7, %dma_wait3A] : memref<10000x64xf32, #tpu.memory_space<hbm>> -> memref<625x64xf32, #tpu.memory_space<hbm>>
        %dma_wait3A_19 = arith.constant 0 : i32
        %dma_wait3A_20 = tpu.memref_slice %arg11[%mul3A_7, %dma_wait3A_19] : memref<10016x64xf32, #tpu.memory_space<vmem_shared>> -> memref<625x64xf32, #tpu.memory_space<vmem_shared>>
        tpu.wait_dma2 semaphore(%run_scoped3A : memref<!tpu.dma_semaphore, #tpu.memory_space<semaphore_mem>>) src(%dma_wait3A_20 : memref<625x64xf32, #tpu.memory_space<vmem_shared>>) dst(%dma_wait3A_18 : memref<625x64xf32, #tpu.memory_space<hbm>>)
        tpu.yield
      }) : () -> ()
    } else {
    }
    %eq3A_2 = arith.constant 1 : i32
    %eq3A_3 = arith.cmpi eq, %arg0, %eq3A_2 : i32
    %convert_element_type3A_4 = arith.extui %eq3A_3 : i1 to i32
    %cond3A_5 = arith.constant 0 : i32
    %cond3A_6 = arith.cmpi ne, %convert_element_type3A_4, %cond3A_5 : i32
    scf.if %cond3A_6 {
      %mul3A = arith.constant 625 : i32
      %mul3A_7 = arith.muli %arg1, %mul3A : i32
      "tpu.region"() ({
        %run_scoped3A = tpu.sem_alloc : memref<!tpu.dma_semaphore, #tpu.memory_space<semaphore_mem>>
        %dma_start3A = arith.constant 0 : i32
        %dma_start3A_15 = tpu.memref_slice %arg11[%mul3A_7, %dma_start3A] : memref<10016x64xf32, #tpu.memory_space<vmem_shared>> -> memref<625x64xf32, #tpu.memory_space<vmem_shared>>
        %dma_start3A_16 = arith.constant 0 : i32
        %dma_start3A_17 = tpu.memref_slice %arg3[%mul3A_7, %dma_start3A_16] : memref<10000x64xf32, #tpu.memory_space<hbm>> -> memref<625x64xf32, #tpu.memory_space<hbm>>
        tpu.enqueue_dma source(%dma_start3A_17 : memref<625x64xf32, #tpu.memory_space<hbm>>) target(%dma_start3A_15 : memref<625x64xf32, #tpu.memory_space<vmem_shared>>) target_semaphore(%run_scoped3A : memref<!tpu.dma_semaphore, #tpu.memory_space<semaphore_mem>>)
        %dma_wait3A = arith.constant 0 : i32
        %dma_wait3A_18 = tpu.memref_slice %arg11[%mul3A_7, %dma_wait3A] : memref<10016x64xf32, #tpu.memory_space<vmem_shared>> -> memref<625x64xf32, #tpu.memory_space<vmem_shared>>
        %dma_wait3A_19 = arith.constant 0 : i32
        %dma_wait3A_20 = tpu.memref_slice %arg3[%mul3A_7, %dma_wait3A_19] : memref<10000x64xf32, #tpu.memory_space<hbm>> -> memref<625x64xf32, #tpu.memory_space<hbm>>
        tpu.wait_dma2 semaphore(%run_scoped3A : memref<!tpu.dma_semaphore, #tpu.memory_space<semaphore_mem>>) src(%dma_wait3A_20 : memref<625x64xf32, #tpu.memory_space<hbm>>) dst(%dma_wait3A_18 : memref<625x64xf32, #tpu.memory_space<vmem_shared>>)
        tpu.yield
      }) : () -> ()
      %barrier3A = arith.constant 0 : index
      tpu.barrier barrier_id(%barrier3A)
      %scan3A = arith.constant 0 : i32
      %scan3A_8 = arith.constant 0 : i32
      %scan3A_9 = arith.constant 157 : i32
      %scan3A_10 = arith.addi %scan3A_8, %scan3A_9 : i32
      %scan3A_11 = arith.constant 1 : i32
      %scan3A_12 = scf.for %scan3A_15 = %scan3A_8 to %scan3A_10 step %scan3A_11 iter_args(%scan3A_16 = %scan3A) -> (i32)  : i32 {
        %dma_start3A = arith.constant 0 : i32
        %dma_start3A_17 = tpu.memref_slice %arg8[%scan3A_15, %dma_start3A] : memref<157x128xi32, #tpu.memory_space<vmem>> -> memref<1x128xi32, #tpu.memory_space<vmem>>
        %dma_start3A_18 = tpu.memref_squeeze %dma_start3A_17 : memref<1x128xi32, #tpu.memory_space<vmem>> -> memref<128xi32, #tpu.memory_space<vmem>>
        %dma_start3A_19 = arith.constant 0 : i32
        %dma_start3A_20 = arith.constant 0 : i32
        %dma_start3A_21 = tpu.memref_slice %arg3[%dma_start3A_19, %dma_start3A_20] : memref<10000x64xf32, #tpu.memory_space<hbm>> -> memref<10000x64xf32, #tpu.memory_space<hbm>>
        tpu.enqueue_indirect_dma source(%dma_start3A_21 : memref<10000x64xf32, #tpu.memory_space<hbm>>) target(%arg10 : memref<128x64xf32, #tpu.memory_space<vmem>>) offsets(%dma_start3A_18 : memref<128xi32, #tpu.memory_space<vmem>>) semaphore(%arg12 : memref<!tpu.dma_semaphore, #tpu.memory_space<semaphore_mem>>)
        %dma_wait3A = arith.constant 0 : i32
        %dma_wait3A_22 = tpu.memref_slice %arg8[%scan3A_15, %dma_wait3A] : memref<157x128xi32, #tpu.memory_space<vmem>> -> memref<1x128xi32, #tpu.memory_space<vmem>>
        %dma_wait3A_23 = tpu.memref_squeeze %dma_wait3A_22 : memref<1x128xi32, #tpu.memory_space<vmem>> -> memref<128xi32, #tpu.memory_space<vmem>>
        %dma_wait3A_24 = arith.constant 0 : i32
        %dma_wait3A_25 = arith.constant 0 : i32
        %dma_wait3A_26 = tpu.memref_slice %arg3[%dma_wait3A_24, %dma_wait3A_25] : memref<10000x64xf32, #tpu.memory_space<hbm>> -> memref<10000x64xf32, #tpu.memory_space<hbm>>
        tpu.wait_indirect_dma semaphore(%arg12 : memref<!tpu.dma_semaphore, #tpu.memory_space<semaphore_mem>>) src(%dma_wait3A_26 : memref<10000x64xf32, #tpu.memory_space<hbm>>) dst(%arg10 : memref<128x64xf32, #tpu.memory_space<vmem>>)
        "tpu.region"() ({
          %run_scoped3A = tpu.sem_alloc : memref<!tpu.dma_semaphore, #tpu.memory_space<semaphore_mem>>
          %dma_start3A_28 = arith.constant 0 : i32
          %dma_start3A_29 = tpu.memref_slice %arg9[%scan3A_15, %dma_start3A_28] : memref<157x128xi32, #tpu.memory_space<vmem>> -> memref<1x128xi32, #tpu.memory_space<vmem>>
          %dma_start3A_30 = tpu.memref_squeeze %dma_start3A_29 : memref<1x128xi32, #tpu.memory_space<vmem>> -> memref<128xi32, #tpu.memory_space<vmem>>
          %dma_start3A_31 = arith.constant 0 : i32
          %dma_start3A_32 = arith.constant 0 : i32
          %dma_start3A_33 = tpu.memref_slice %arg11[%dma_start3A_31, %dma_start3A_32] : memref<10016x64xf32, #tpu.memory_space<vmem_shared>> -> memref<10016x64xf32, #tpu.memory_space<vmem_shared>>
          tpu.enqueue_indirect_dma source(%arg10 : memref<128x64xf32, #tpu.memory_space<vmem>>) target(%dma_start3A_33 : memref<10016x64xf32, #tpu.memory_space<vmem_shared>>) offsets(%dma_start3A_30 : memref<128xi32, #tpu.memory_space<vmem>>) semaphore(%run_scoped3A : memref<!tpu.dma_semaphore, #tpu.memory_space<semaphore_mem>>) {add = true}
          %dma_wait3A_34 = arith.constant 0 : i32
          %dma_wait3A_35 = tpu.memref_slice %arg9[%scan3A_15, %dma_wait3A_34] : memref<157x128xi32, #tpu.memory_space<vmem>> -> memref<1x128xi32, #tpu.memory_space<vmem>>
          %dma_wait3A_36 = tpu.memref_squeeze %dma_wait3A_35 : memref<1x128xi32, #tpu.memory_space<vmem>> -> memref<128xi32, #tpu.memory_space<vmem>>
          %dma_wait3A_37 = arith.constant 0 : i32
          %dma_wait3A_38 = arith.constant 0 : i32
          %dma_wait3A_39 = tpu.memref_slice %arg11[%dma_wait3A_37, %dma_wait3A_38] : memref<10016x64xf32, #tpu.memory_space<vmem_shared>> -> memref<10016x64xf32, #tpu.memory_space<vmem_shared>>
          tpu.wait_indirect_dma semaphore(%run_scoped3A : memref<!tpu.dma_semaphore, #tpu.memory_space<semaphore_mem>>) src(%arg10 : memref<128x64xf32, #tpu.memory_space<vmem>>) dst(%dma_wait3A_39 : memref<10016x64xf32, #tpu.memory_space<vmem_shared>>)
          tpu.yield
        }) : () -> ()
        %scan3A_27 = arith.constant 0 : i32
        scf.yield %scan3A_27 : i32
      }
      %scan3A_13 = arith.constant 157 : i32
      %barrier3A_14 = arith.constant 0 : index
      tpu.barrier barrier_id(%barrier3A_14)
      "tpu.region"() ({
        %run_scoped3A = tpu.sem_alloc : memref<!tpu.dma_semaphore, #tpu.memory_space<semaphore_mem>>
        %dma_start3A = arith.constant 0 : i32
        %dma_start3A_15 = tpu.memref_slice %arg7[%mul3A_7, %dma_start3A] : memref<10000x64xf32, #tpu.memory_space<hbm>> -> memref<625x64xf32, #tpu.memory_space<hbm>>
        %dma_start3A_16 = arith.constant 0 : i32
        %dma_start3A_17 = tpu.memref_slice %arg11[%mul3A_7, %dma_start3A_16] : memref<10016x64xf32, #tpu.memory_space<vmem_shared>> -> memref<625x64xf32, #tpu.memory_space<vmem_shared>>
        tpu.enqueue_dma source(%dma_start3A_17 : memref<625x64xf32, #tpu.memory_space<vmem_shared>>) target(%dma_start3A_15 : memref<625x64xf32, #tpu.memory_space<hbm>>) target_semaphore(%run_scoped3A : memref<!tpu.dma_semaphore, #tpu.memory_space<semaphore_mem>>)
        %dma_wait3A = arith.constant 0 : i32
        %dma_wait3A_18 = tpu.memref_slice %arg7[%mul3A_7, %dma_wait3A] : memref<10000x64xf32, #tpu.memory_space<hbm>> -> memref<625x64xf32, #tpu.memory_space<hbm>>
        %dma_wait3A_19 = arith.constant 0 : i32
        %dma_wait3A_20 = tpu.memref_slice %arg11[%mul3A_7, %dma_wait3A_19] : memref<10016x64xf32, #tpu.memory_space<vmem_shared>> -> memref<625x64xf32, #tpu.memory_space<vmem_shared>>
        tpu.wait_dma2 semaphore(%run_scoped3A : memref<!tpu.dma_semaphore, #tpu.memory_space<semaphore_mem>>) src(%dma_wait3A_20 : memref<625x64xf32, #tpu.memory_space<vmem_shared>>) dst(%dma_wait3A_18 : memref<625x64xf32, #tpu.memory_space<hbm>>)
        tpu.yield
      }) : () -> ()
    } else {
    }
    return
  }
}

#map = affine_map<(d0, d1) -> (0, 0)>
#map1 = affine_map<(d0, d1) -> (0, 0, 0)>
module attributes {stable_mosaic.version = 14 : i64} {
  func.func @_agg_kernel(%arg0: i32, %arg1: i32, %arg2: memref<10000x64xf32, #tpu.memory_space<hbm>>, %arg3: memref<10000x64xf32, #tpu.memory_space<hbm>>, %arg4: memref<16x157x128xi32, #tpu.memory_space<hbm>>, %arg5: memref<16x157x128xi32, #tpu.memory_space<hbm>>, %arg6: memref<10000x64xf32, #tpu.memory_space<hbm>>, %arg7: memref<10000x64xf32, #tpu.memory_space<hbm>>, %arg8: memref<157x128xi32, #tpu.memory_space<vmem>>, %arg9: memref<157x128xi32, #tpu.memory_space<vmem>>, %arg10: memref<128x64xf32, #tpu.memory_space<vmem>>, %arg11: memref<10016x64xf32, #tpu.memory_space<vmem_shared>>, %arg12: memref<!tpu.dma_semaphore, #tpu.memory_space<semaphore_mem>>) attributes {dimension_semantics = [#tpu.dimension_semantics<core_parallel>, #tpu.dimension_semantics<subcore_parallel>], iteration_bounds = array<i64: 2, 16>, scalar_prefetch = 0 : i64, scratch_operands = 5 : i64, tpu.core_type = #tpu.core_type<sc_vector_subcore>, window_params = [{transform_indices = #map}, {transform_indices = #map}, {transform_indices = #map1}, {transform_indices = #map1}, {transform_indices = #map}, {transform_indices = #map}]} {
    "tpu.region"() ({
      %run_scoped3A = tpu.sem_alloc : memref<!tpu.dma_semaphore, #tpu.memory_space<semaphore_mem>>
      %dma_start3A = arith.constant 0 : i32
      %dma_start3A_7 = arith.constant 0 : i32
      %dma_start3A_8 = tpu.memref_slice %arg4[%arg1, %dma_start3A, %dma_start3A_7] : memref<16x157x128xi32, #tpu.memory_space<hbm>> -> memref<1x157x128xi32, #tpu.memory_space<hbm>>
      %dma_start3A_9 = tpu.memref_squeeze %dma_start3A_8 : memref<1x157x128xi32, #tpu.memory_space<hbm>> -> memref<157x128xi32, #tpu.memory_space<hbm>>
      %dma_start3A_10 = arith.constant 0 : i32
      %dma_start3A_11 = arith.constant 0 : i32
      %dma_start3A_12 = tpu.memref_slice %arg4[%arg1, %dma_start3A_10, %dma_start3A_11] : memref<16x157x128xi32, #tpu.memory_space<hbm>> -> memref<1x157x128xi32, #tpu.memory_space<hbm>>
      %dma_start3A_13 = tpu.memref_squeeze %dma_start3A_12 : memref<1x157x128xi32, #tpu.memory_space<hbm>> -> memref<157x128xi32, #tpu.memory_space<hbm>>
      tpu.enqueue_dma source(%dma_start3A_13 : memref<157x128xi32, #tpu.memory_space<hbm>>) target(%arg8 : memref<157x128xi32, #tpu.memory_space<vmem>>) target_semaphore(%run_scoped3A : memref<!tpu.dma_semaphore, #tpu.memory_space<semaphore_mem>>)
      %dma_wait3A = arith.constant 0 : i32
      %dma_wait3A_14 = arith.constant 0 : i32
      %dma_wait3A_15 = tpu.memref_slice %arg4[%arg1, %dma_wait3A, %dma_wait3A_14] : memref<16x157x128xi32, #tpu.memory_space<hbm>> -> memref<1x157x128xi32, #tpu.memory_space<hbm>>
      %dma_wait3A_16 = tpu.memref_squeeze %dma_wait3A_15 : memref<1x157x128xi32, #tpu.memory_space<hbm>> -> memref<157x128xi32, #tpu.memory_space<hbm>>
      %dma_wait3A_17 = arith.constant 0 : i32
      %dma_wait3A_18 = arith.constant 0 : i32
      %dma_wait3A_19 = tpu.memref_slice %arg4[%arg1, %dma_wait3A_17, %dma_wait3A_18] : memref<16x157x128xi32, #tpu.memory_space<hbm>> -> memref<1x157x128xi32, #tpu.memory_space<hbm>>
      %dma_wait3A_20 = tpu.memref_squeeze %dma_wait3A_19 : memref<1x157x128xi32, #tpu.memory_space<hbm>> -> memref<157x128xi32, #tpu.memory_space<hbm>>
      tpu.wait_dma2 semaphore(%run_scoped3A : memref<!tpu.dma_semaphore, #tpu.memory_space<semaphore_mem>>) src(%dma_wait3A_20 : memref<157x128xi32, #tpu.memory_space<hbm>>) dst(%arg8 : memref<157x128xi32, #tpu.memory_space<vmem>>)
      tpu.yield
    }) : () -> ()
    "tpu.region"() ({
      %run_scoped3A = tpu.sem_alloc : memref<!tpu.dma_semaphore, #tpu.memory_space<semaphore_mem>>
      %dma_start3A = arith.constant 0 : i32
      %dma_start3A_7 = arith.constant 0 : i32
      %dma_start3A_8 = tpu.memref_slice %arg5[%arg1, %dma_start3A, %dma_start3A_7] : memref<16x157x128xi32, #tpu.memory_space<hbm>> -> memref<1x157x128xi32, #tpu.memory_space<hbm>>
      %dma_start3A_9 = tpu.memref_squeeze %dma_start3A_8 : memref<1x157x128xi32, #tpu.memory_space<hbm>> -> memref<157x128xi32, #tpu.memory_space<hbm>>
      %dma_start3A_10 = arith.constant 0 : i32
      %dma_start3A_11 = arith.constant 0 : i32
      %dma_start3A_12 = tpu.memref_slice %arg5[%arg1, %dma_start3A_10, %dma_start3A_11] : memref<16x157x128xi32, #tpu.memory_space<hbm>> -> memref<1x157x128xi32, #tpu.memory_space<hbm>>
      %dma_start3A_13 = tpu.memref_squeeze %dma_start3A_12 : memref<1x157x128xi32, #tpu.memory_space<hbm>> -> memref<157x128xi32, #tpu.memory_space<hbm>>
      tpu.enqueue_dma source(%dma_start3A_13 : memref<157x128xi32, #tpu.memory_space<hbm>>) target(%arg9 : memref<157x128xi32, #tpu.memory_space<vmem>>) target_semaphore(%run_scoped3A : memref<!tpu.dma_semaphore, #tpu.memory_space<semaphore_mem>>)
      %dma_wait3A = arith.constant 0 : i32
      %dma_wait3A_14 = arith.constant 0 : i32
      %dma_wait3A_15 = tpu.memref_slice %arg5[%arg1, %dma_wait3A, %dma_wait3A_14] : memref<16x157x128xi32, #tpu.memory_space<hbm>> -> memref<1x157x128xi32, #tpu.memory_space<hbm>>
      %dma_wait3A_16 = tpu.memref_squeeze %dma_wait3A_15 : memref<1x157x128xi32, #tpu.memory_space<hbm>> -> memref<157x128xi32, #tpu.memory_space<hbm>>
      %dma_wait3A_17 = arith.constant 0 : i32
      %dma_wait3A_18 = arith.constant 0 : i32
      %dma_wait3A_19 = tpu.memref_slice %arg5[%arg1, %dma_wait3A_17, %dma_wait3A_18] : memref<16x157x128xi32, #tpu.memory_space<hbm>> -> memref<1x157x128xi32, #tpu.memory_space<hbm>>
      %dma_wait3A_20 = tpu.memref_squeeze %dma_wait3A_19 : memref<1x157x128xi32, #tpu.memory_space<hbm>> -> memref<157x128xi32, #tpu.memory_space<hbm>>
      tpu.wait_dma2 semaphore(%run_scoped3A : memref<!tpu.dma_semaphore, #tpu.memory_space<semaphore_mem>>) src(%dma_wait3A_20 : memref<157x128xi32, #tpu.memory_space<hbm>>) dst(%arg9 : memref<157x128xi32, #tpu.memory_space<vmem>>)
      tpu.yield
    }) : () -> ()
    %eq3A = arith.constant 0 : i32
    %eq3A_0 = arith.cmpi eq, %arg0, %eq3A : i32
    %convert_element_type3A = arith.extui %eq3A_0 : i1 to i32
    %cond3A = arith.constant 0 : i32
    %cond3A_1 = arith.cmpi ne, %convert_element_type3A, %cond3A : i32
    scf.if %cond3A_1 {
      %mul3A = arith.constant 625 : i32
      %mul3A_7 = arith.muli %arg1, %mul3A : i32
      "tpu.region"() ({
        %run_scoped3A = tpu.sem_alloc : memref<!tpu.dma_semaphore, #tpu.memory_space<semaphore_mem>>
        %dma_start3A = arith.constant 0 : i32
        %dma_start3A_15 = tpu.memref_slice %arg11[%mul3A_7, %dma_start3A] : memref<10016x64xf32, #tpu.memory_space<vmem_shared>> -> memref<625x64xf32, #tpu.memory_space<vmem_shared>>
        %dma_start3A_16 = arith.constant 0 : i32
        %dma_start3A_17 = tpu.memref_slice %arg2[%mul3A_7, %dma_start3A_16] : memref<10000x64xf32, #tpu.memory_space<hbm>> -> memref<625x64xf32, #tpu.memory_space<hbm>>
        tpu.enqueue_dma source(%dma_start3A_17 : memref<625x64xf32, #tpu.memory_space<hbm>>) target(%dma_start3A_15 : memref<625x64xf32, #tpu.memory_space<vmem_shared>>) target_semaphore(%run_scoped3A : memref<!tpu.dma_semaphore, #tpu.memory_space<semaphore_mem>>)
        %dma_wait3A = arith.constant 0 : i32
        %dma_wait3A_18 = tpu.memref_slice %arg11[%mul3A_7, %dma_wait3A] : memref<10016x64xf32, #tpu.memory_space<vmem_shared>> -> memref<625x64xf32, #tpu.memory_space<vmem_shared>>
        %dma_wait3A_19 = arith.constant 0 : i32
        %dma_wait3A_20 = tpu.memref_slice %arg2[%mul3A_7, %dma_wait3A_19] : memref<10000x64xf32, #tpu.memory_space<hbm>> -> memref<625x64xf32, #tpu.memory_space<hbm>>
        tpu.wait_dma2 semaphore(%run_scoped3A : memref<!tpu.dma_semaphore, #tpu.memory_space<semaphore_mem>>) src(%dma_wait3A_20 : memref<625x64xf32, #tpu.memory_space<hbm>>) dst(%dma_wait3A_18 : memref<625x64xf32, #tpu.memory_space<vmem_shared>>)
        tpu.yield
      }) : () -> ()
      %barrier3A = arith.constant 0 : index
      tpu.barrier barrier_id(%barrier3A)
      %scan3A = arith.constant 0 : i32
      %scan3A_8 = arith.constant 0 : i32
      %scan3A_9 = arith.constant 157 : i32
      %scan3A_10 = arith.addi %scan3A_8, %scan3A_9 : i32
      %scan3A_11 = arith.constant 1 : i32
      %scan3A_12 = scf.for %scan3A_15 = %scan3A_8 to %scan3A_10 step %scan3A_11 iter_args(%scan3A_16 = %scan3A) -> (i32)  : i32 {
        %dma_start3A = arith.constant 0 : i32
        %dma_start3A_17 = tpu.memref_slice %arg8[%scan3A_15, %dma_start3A] : memref<157x128xi32, #tpu.memory_space<vmem>> -> memref<1x128xi32, #tpu.memory_space<vmem>>
        %dma_start3A_18 = tpu.memref_squeeze %dma_start3A_17 : memref<1x128xi32, #tpu.memory_space<vmem>> -> memref<128xi32, #tpu.memory_space<vmem>>
        %dma_start3A_19 = arith.constant 0 : i32
        %dma_start3A_20 = arith.constant 0 : i32
        %dma_start3A_21 = tpu.memref_slice %arg2[%dma_start3A_19, %dma_start3A_20] : memref<10000x64xf32, #tpu.memory_space<hbm>> -> memref<10000x64xf32, #tpu.memory_space<hbm>>
        tpu.enqueue_indirect_dma source(%dma_start3A_21 : memref<10000x64xf32, #tpu.memory_space<hbm>>) target(%arg10 : memref<128x64xf32, #tpu.memory_space<vmem>>) offsets(%dma_start3A_18 : memref<128xi32, #tpu.memory_space<vmem>>) semaphore(%arg12 : memref<!tpu.dma_semaphore, #tpu.memory_space<semaphore_mem>>)
        %dma_wait3A = arith.constant 0 : i32
        %dma_wait3A_22 = tpu.memref_slice %arg8[%scan3A_15, %dma_wait3A] : memref<157x128xi32, #tpu.memory_space<vmem>> -> memref<1x128xi32, #tpu.memory_space<vmem>>
        %dma_wait3A_23 = tpu.memref_squeeze %dma_wait3A_22 : memref<1x128xi32, #tpu.memory_space<vmem>> -> memref<128xi32, #tpu.memory_space<vmem>>
        %dma_wait3A_24 = arith.constant 0 : i32
        %dma_wait3A_25 = arith.constant 0 : i32
        %dma_wait3A_26 = tpu.memref_slice %arg2[%dma_wait3A_24, %dma_wait3A_25] : memref<10000x64xf32, #tpu.memory_space<hbm>> -> memref<10000x64xf32, #tpu.memory_space<hbm>>
        tpu.wait_indirect_dma semaphore(%arg12 : memref<!tpu.dma_semaphore, #tpu.memory_space<semaphore_mem>>) src(%dma_wait3A_26 : memref<10000x64xf32, #tpu.memory_space<hbm>>) dst(%arg10 : memref<128x64xf32, #tpu.memory_space<vmem>>)
        "tpu.region"() ({
          %run_scoped3A = tpu.sem_alloc : memref<!tpu.dma_semaphore, #tpu.memory_space<semaphore_mem>>
          %dma_start3A_28 = arith.constant 0 : i32
          %dma_start3A_29 = tpu.memref_slice %arg9[%scan3A_15, %dma_start3A_28] : memref<157x128xi32, #tpu.memory_space<vmem>> -> memref<1x128xi32, #tpu.memory_space<vmem>>
          %dma_start3A_30 = tpu.memref_squeeze %dma_start3A_29 : memref<1x128xi32, #tpu.memory_space<vmem>> -> memref<128xi32, #tpu.memory_space<vmem>>
          %dma_start3A_31 = arith.constant 0 : i32
          %dma_start3A_32 = arith.constant 0 : i32
          %dma_start3A_33 = tpu.memref_slice %arg11[%dma_start3A_31, %dma_start3A_32] : memref<10016x64xf32, #tpu.memory_space<vmem_shared>> -> memref<10016x64xf32, #tpu.memory_space<vmem_shared>>
          tpu.enqueue_indirect_dma source(%arg10 : memref<128x64xf32, #tpu.memory_space<vmem>>) target(%dma_start3A_33 : memref<10016x64xf32, #tpu.memory_space<vmem_shared>>) offsets(%dma_start3A_30 : memref<128xi32, #tpu.memory_space<vmem>>) semaphore(%run_scoped3A : memref<!tpu.dma_semaphore, #tpu.memory_space<semaphore_mem>>) {add = true}
          %dma_wait3A_34 = arith.constant 0 : i32
          %dma_wait3A_35 = tpu.memref_slice %arg9[%scan3A_15, %dma_wait3A_34] : memref<157x128xi32, #tpu.memory_space<vmem>> -> memref<1x128xi32, #tpu.memory_space<vmem>>
          %dma_wait3A_36 = tpu.memref_squeeze %dma_wait3A_35 : memref<1x128xi32, #tpu.memory_space<vmem>> -> memref<128xi32, #tpu.memory_space<vmem>>
          %dma_wait3A_37 = arith.constant 0 : i32
          %dma_wait3A_38 = arith.constant 0 : i32
          %dma_wait3A_39 = tpu.memref_slice %arg11[%dma_wait3A_37, %dma_wait3A_38] : memref<10016x64xf32, #tpu.memory_space<vmem_shared>> -> memref<10016x64xf32, #tpu.memory_space<vmem_shared>>
          tpu.wait_indirect_dma semaphore(%run_scoped3A : memref<!tpu.dma_semaphore, #tpu.memory_space<semaphore_mem>>) src(%arg10 : memref<128x64xf32, #tpu.memory_space<vmem>>) dst(%dma_wait3A_39 : memref<10016x64xf32, #tpu.memory_space<vmem_shared>>)
          tpu.yield
        }) : () -> ()
        %scan3A_27 = arith.constant 0 : i32
        scf.yield %scan3A_27 : i32
      }
      %scan3A_13 = arith.constant 157 : i32
      %barrier3A_14 = arith.constant 0 : index
      tpu.barrier barrier_id(%barrier3A_14)
      "tpu.region"() ({
        %run_scoped3A = tpu.sem_alloc : memref<!tpu.dma_semaphore, #tpu.memory_space<semaphore_mem>>
        %dma_start3A = arith.constant 0 : i32
        %dma_start3A_15 = tpu.memref_slice %arg6[%mul3A_7, %dma_start3A] : memref<10000x64xf32, #tpu.memory_space<hbm>> -> memref<625x64xf32, #tpu.memory_space<hbm>>
        %dma_start3A_16 = arith.constant 0 : i32
        %dma_start3A_17 = tpu.memref_slice %arg11[%mul3A_7, %dma_start3A_16] : memref<10016x64xf32, #tpu.memory_space<vmem_shared>> -> memref<625x64xf32, #tpu.memory_space<vmem_shared>>
        tpu.enqueue_dma source(%dma_start3A_17 : memref<625x64xf32, #tpu.memory_space<vmem_shared>>) target(%dma_start3A_15 : memref<625x64xf32, #tpu.memory_space<hbm>>) target_semaphore(%run_scoped3A : memref<!tpu.dma_semaphore, #tpu.memory_space<semaphore_mem>>)
        %dma_wait3A = arith.constant 0 : i32
        %dma_wait3A_18 = tpu.memref_slice %arg6[%mul3A_7, %dma_wait3A] : memref<10000x64xf32, #tpu.memory_space<hbm>> -> memref<625x64xf32, #tpu.memory_space<hbm>>
        %dma_wait3A_19 = arith.constant 0 : i32
        %dma_wait3A_20 = tpu.memref_slice %arg11[%mul3A_7, %dma_wait3A_19] : memref<10016x64xf32, #tpu.memory_space<vmem_shared>> -> memref<625x64xf32, #tpu.memory_space<vmem_shared>>
        tpu.wait_dma2 semaphore(%run_scoped3A : memref<!tpu.dma_semaphore, #tpu.memory_space<semaphore_mem>>) src(%dma_wait3A_20 : memref<625x64xf32, #tpu.memory_space<vmem_shared>>) dst(%dma_wait3A_18 : memref<625x64xf32, #tpu.memory_space<hbm>>)
        tpu.yield
      }) : () -> ()
    } else {
    }
    %eq3A_2 = arith.constant 1 : i32
    %eq3A_3 = arith.cmpi eq, %arg0, %eq3A_2 : i32
    %convert_element_type3A_4 = arith.extui %eq3A_3 : i1 to i32
    %cond3A_5 = arith.constant 0 : i32
    %cond3A_6 = arith.cmpi ne, %convert_element_type3A_4, %cond3A_5 : i32
    scf.if %cond3A_6 {
      %mul3A = arith.constant 625 : i32
      %mul3A_7 = arith.muli %arg1, %mul3A : i32
      "tpu.region"() ({
        %run_scoped3A = tpu.sem_alloc : memref<!tpu.dma_semaphore, #tpu.memory_space<semaphore_mem>>
        %dma_start3A = arith.constant 0 : i32
        %dma_start3A_15 = tpu.memref_slice %arg11[%mul3A_7, %dma_start3A] : memref<10016x64xf32, #tpu.memory_space<vmem_shared>> -> memref<625x64xf32, #tpu.memory_space<vmem_shared>>
        %dma_start3A_16 = arith.constant 0 : i32
        %dma_start3A_17 = tpu.memref_slice %arg3[%mul3A_7, %dma_start3A_16] : memref<10000x64xf32, #tpu.memory_space<hbm>> -> memref<625x64xf32, #tpu.memory_space<hbm>>
        tpu.enqueue_dma source(%dma_start3A_17 : memref<625x64xf32, #tpu.memory_space<hbm>>) target(%dma_start3A_15 : memref<625x64xf32, #tpu.memory_space<vmem_shared>>) target_semaphore(%run_scoped3A : memref<!tpu.dma_semaphore, #tpu.memory_space<semaphore_mem>>)
        %dma_wait3A = arith.constant 0 : i32
        %dma_wait3A_18 = tpu.memref_slice %arg11[%mul3A_7, %dma_wait3A] : memref<10016x64xf32, #tpu.memory_space<vmem_shared>> -> memref<625x64xf32, #tpu.memory_space<vmem_shared>>
        %dma_wait3A_19 = arith.constant 0 : i32
        %dma_wait3A_20 = tpu.memref_slice %arg3[%mul3A_7, %dma_wait3A_19] : memref<10000x64xf32, #tpu.memory_space<hbm>> -> memref<625x64xf32, #tpu.memory_space<hbm>>
        tpu.wait_dma2 semaphore(%run_scoped3A : memref<!tpu.dma_semaphore, #tpu.memory_space<semaphore_mem>>) src(%dma_wait3A_20 : memref<625x64xf32, #tpu.memory_space<hbm>>) dst(%dma_wait3A_18 : memref<625x64xf32, #tpu.memory_space<vmem_shared>>)
        tpu.yield
      }) : () -> ()
      %barrier3A = arith.constant 0 : index
      tpu.barrier barrier_id(%barrier3A)
      %scan3A = arith.constant 0 : i32
      %scan3A_8 = arith.constant 0 : i32
      %scan3A_9 = arith.constant 157 : i32
      %scan3A_10 = arith.addi %scan3A_8, %scan3A_9 : i32
      %scan3A_11 = arith.constant 1 : i32
      %scan3A_12 = scf.for %scan3A_15 = %scan3A_8 to %scan3A_10 step %scan3A_11 iter_args(%scan3A_16 = %scan3A) -> (i32)  : i32 {
        %dma_start3A = arith.constant 0 : i32
        %dma_start3A_17 = tpu.memref_slice %arg8[%scan3A_15, %dma_start3A] : memref<157x128xi32, #tpu.memory_space<vmem>> -> memref<1x128xi32, #tpu.memory_space<vmem>>
        %dma_start3A_18 = tpu.memref_squeeze %dma_start3A_17 : memref<1x128xi32, #tpu.memory_space<vmem>> -> memref<128xi32, #tpu.memory_space<vmem>>
        %dma_start3A_19 = arith.constant 0 : i32
        %dma_start3A_20 = arith.constant 0 : i32
        %dma_start3A_21 = tpu.memref_slice %arg3[%dma_start3A_19, %dma_start3A_20] : memref<10000x64xf32, #tpu.memory_space<hbm>> -> memref<10000x64xf32, #tpu.memory_space<hbm>>
        tpu.enqueue_indirect_dma source(%dma_start3A_21 : memref<10000x64xf32, #tpu.memory_space<hbm>>) target(%arg10 : memref<128x64xf32, #tpu.memory_space<vmem>>) offsets(%dma_start3A_18 : memref<128xi32, #tpu.memory_space<vmem>>) semaphore(%arg12 : memref<!tpu.dma_semaphore, #tpu.memory_space<semaphore_mem>>)
        %dma_wait3A = arith.constant 0 : i32
        %dma_wait3A_22 = tpu.memref_slice %arg8[%scan3A_15, %dma_wait3A] : memref<157x128xi32, #tpu.memory_space<vmem>> -> memref<1x128xi32, #tpu.memory_space<vmem>>
        %dma_wait3A_23 = tpu.memref_squeeze %dma_wait3A_22 : memref<1x128xi32, #tpu.memory_space<vmem>> -> memref<128xi32, #tpu.memory_space<vmem>>
        %dma_wait3A_24 = arith.constant 0 : i32
        %dma_wait3A_25 = arith.constant 0 : i32
        %dma_wait3A_26 = tpu.memref_slice %arg3[%dma_wait3A_24, %dma_wait3A_25] : memref<10000x64xf32, #tpu.memory_space<hbm>> -> memref<10000x64xf32, #tpu.memory_space<hbm>>
        tpu.wait_indirect_dma semaphore(%arg12 : memref<!tpu.dma_semaphore, #tpu.memory_space<semaphore_mem>>) src(%dma_wait3A_26 : memref<10000x64xf32, #tpu.memory_space<hbm>>) dst(%arg10 : memref<128x64xf32, #tpu.memory_space<vmem>>)
        "tpu.region"() ({
          %run_scoped3A = tpu.sem_alloc : memref<!tpu.dma_semaphore, #tpu.memory_space<semaphore_mem>>
          %dma_start3A_28 = arith.constant 0 : i32
          %dma_start3A_29 = tpu.memref_slice %arg9[%scan3A_15, %dma_start3A_28] : memref<157x128xi32, #tpu.memory_space<vmem>> -> memref<1x128xi32, #tpu.memory_space<vmem>>
          %dma_start3A_30 = tpu.memref_squeeze %dma_start3A_29 : memref<1x128xi32, #tpu.memory_space<vmem>> -> memref<128xi32, #tpu.memory_space<vmem>>
          %dma_start3A_31 = arith.constant 0 : i32
          %dma_start3A_32 = arith.constant 0 : i32
          %dma_start3A_33 = tpu.memref_slice %arg11[%dma_start3A_31, %dma_start3A_32] : memref<10016x64xf32, #tpu.memory_space<vmem_shared>> -> memref<10016x64xf32, #tpu.memory_space<vmem_shared>>
          tpu.enqueue_indirect_dma source(%arg10 : memref<128x64xf32, #tpu.memory_space<vmem>>) target(%dma_start3A_33 : memref<10016x64xf32, #tpu.memory_space<vmem_shared>>) offsets(%dma_start3A_30 : memref<128xi32, #tpu.memory_space<vmem>>) semaphore(%run_scoped3A : memref<!tpu.dma_semaphore, #tpu.memory_space<semaphore_mem>>) {add = true}
          %dma_wait3A_34 = arith.constant 0 : i32
          %dma_wait3A_35 = tpu.memref_slice %arg9[%scan3A_15, %dma_wait3A_34] : memref<157x128xi32, #tpu.memory_space<vmem>> -> memref<1x128xi32, #tpu.memory_space<vmem>>
          %dma_wait3A_36 = tpu.memref_squeeze %dma_wait3A_35 : memref<1x128xi32, #tpu.memory_space<vmem>> -> memref<128xi32, #tpu.memory_space<vmem>>
          %dma_wait3A_37 = arith.constant 0 : i32
          %dma_wait3A_38 = arith.constant 0 : i32
          %dma_wait3A_39 = tpu.memref_slice %arg11[%dma_wait3A_37, %dma_wait3A_38] : memref<10016x64xf32, #tpu.memory_space<vmem_shared>> -> memref<10016x64xf32, #tpu.memory_space<vmem_shared>>
          tpu.wait_indirect_dma semaphore(%run_scoped3A : memref<!tpu.dma_semaphore, #tpu.memory_space<semaphore_mem>>) src(%arg10 : memref<128x64xf32, #tpu.memory_space<vmem>>) dst(%dma_wait3A_39 : memref<10016x64xf32, #tpu.memory_space<vmem_shared>>)
          tpu.yield
        }) : () -> ()
        %scan3A_27 = arith.constant 0 : i32
        scf.yield %scan3A_27 : i32
      }
      %scan3A_13 = arith.constant 157 : i32
      %barrier3A_14 = arith.constant 0 : index
      tpu.barrier barrier_id(%barrier3A_14)
      "tpu.region"() ({
        %run_scoped3A = tpu.sem_alloc : memref<!tpu.dma_semaphore, #tpu.memory_space<semaphore_mem>>
        %dma_start3A = arith.constant 0 : i32
        %dma_start3A_15 = tpu.memref_slice %arg7[%mul3A_7, %dma_start3A] : memref<10000x64xf32, #tpu.memory_space<hbm>> -> memref<625x64xf32, #tpu.memory_space<hbm>>
        %dma_start3A_16 = arith.constant 0 : i32
        %dma_start3A_17 = tpu.memref_slice %arg11[%mul3A_7, %dma_start3A_16] : memref<10016x64xf32, #tpu.memory_space<vmem_shared>> -> memref<625x64xf32, #tpu.memory_space<vmem_shared>>
        tpu.enqueue_dma source(%dma_start3A_17 : memref<625x64xf32, #tpu.memory_space<vmem_shared>>) target(%dma_start3A_15 : memref<625x64xf32, #tpu.memory_space<hbm>>) target_semaphore(%run_scoped3A : memref<!tpu.dma_semaphore, #tpu.memory_space<semaphore_mem>>)
        %dma_wait3A = arith.constant 0 : i32
        %dma_wait3A_18 = tpu.memref_slice %arg7[%mul3A_7, %dma_wait3A] : memref<10000x64xf32, #tpu.memory_space<hbm>> -> memref<625x64xf32, #tpu.memory_space<hbm>>
        %dma_wait3A_19 = arith.constant 0 : i32
        %dma_wait3A_20 = tpu.memref_slice %arg11[%mul3A_7, %dma_wait3A_19] : memref<10016x64xf32, #tpu.memory_space<vmem_shared>> -> memref<625x64xf32, #tpu.memory_space<vmem_shared>>
        tpu.wait_dma2 semaphore(%run_scoped3A : memref<!tpu.dma_semaphore, #tpu.memory_space<semaphore_mem>>) src(%dma_wait3A_20 : memref<625x64xf32, #tpu.memory_space<vmem_shared>>) dst(%dma_wait3A_18 : memref<625x64xf32, #tpu.memory_space<hbm>>)
        tpu.yield
      }) : () -> ()
    } else {
    }
    return
  }
}

module attributes {stable_mosaic.version = 14 : i64} {
  func.func @_mm1_body(%arg0: memref<10000x128xf32, #tpu.memory_space<vmem>>, %arg1: memref<128x128xf32, #tpu.memory_space<vmem>>, %arg2: memref<10240x1xf32, #tpu.memory_space<vmem>>, %arg3: memref<10000x64xf32, #tpu.memory_space<vmem>>, %arg4: memref<10000x64xf32, #tpu.memory_space<vmem>>) attributes {dimension_semantics = [], scalar_prefetch = 0 : i64, scratch_operands = 0 : i64, tpu.core_type = #tpu.core_type<tc>} {
    %get3A = arith.constant 0 : index
    %get3A_0 = arith.constant 0 : index
    %get3A_1 = vector.load %arg2[%get3A, %get3A_0] : memref<10240x1xf32, #tpu.memory_space<vmem>>, vector<10240x1xf32>
    %slice3A = vector.extract_strided_slice %get3A_1 {offsets = [0, 0], sizes = [10000, 1], strides = [1, 1]} : vector<10240x1xf32> to vector<10000x1xf32>
    %add3A = arith.constant 1.000000e+00 : f32
    %add3A_2 = vector.broadcast %add3A : f32 to vector<10000x1xf32>
    %add3A_3 = arith.addf %slice3A, %add3A_2 : vector<10000x1xf32>
    %rsqrt3A = math.rsqrt %add3A_3 : vector<10000x1xf32>
    %get3A_4 = arith.constant 0 : index
    %get3A_5 = arith.constant 0 : index
    %get3A_6 = vector.load %arg0[%get3A_4, %get3A_5] : memref<10000x128xf32, #tpu.memory_space<vmem>>, vector<10000x128xf32>
    %get3A_7 = arith.constant 0 : index
    %get3A_8 = arith.constant 0 : index
    %get3A_9 = vector.load %arg1[%get3A_7, %get3A_8] : memref<128x128xf32, #tpu.memory_space<vmem>>, vector<128x128xf32>
    %dot_general3A = arith.constant dense<0.000000e+00> : vector<10000x128xf32>
    %dot_general3A_10 = tpu.matmul %get3A_6, %get3A_9, %dot_general3A {dimension_numbers = #tpu.dot_dimension_numbers<[1], [0], [0], [1], [0, 0, 1, 1], [], []>, transpose_lhs_hint = false} : vector<10000x128xf32>, vector<128x128xf32>, vector<10000x128xf32> -> vector<10000x128xf32>
    %mul3A = vector.broadcast %rsqrt3A : vector<10000x1xf32> to vector<10000x128xf32>
    %mul3A_11 = arith.mulf %dot_general3A_10, %mul3A : vector<10000x128xf32>
    %slice3A_12 = vector.extract_strided_slice %mul3A_11 {offsets = [0, 0], sizes = [10000, 64], strides = [1, 1]} : vector<10000x128xf32> to vector<10000x64xf32>
    %swap3A = arith.constant 0 : index
    %swap3A_13 = arith.constant 0 : index
    %swap3A_14 = vector.load %arg3[%swap3A, %swap3A_13] : memref<10000x64xf32, #tpu.memory_space<vmem>>, vector<10000x64xf32>
    tpu.vector_store %arg3[%swap3A, %swap3A_13], %slice3A_12 {strides = array<i32>} : memref<10000x64xf32, #tpu.memory_space<vmem>>, vector<10000x64xf32>,
    %slice3A_15 = vector.extract_strided_slice %mul3A_11 {offsets = [0, 64], sizes = [10000, 64], strides = [1, 1]} : vector<10000x128xf32> to vector<10000x64xf32>
    %swap3A_16 = arith.constant 0 : index
    %swap3A_17 = arith.constant 0 : index
    %swap3A_18 = vector.load %arg4[%swap3A_16, %swap3A_17] : memref<10000x64xf32, #tpu.memory_space<vmem>>, vector<10000x64xf32>
    tpu.vector_store %arg4[%swap3A_16, %swap3A_17], %slice3A_15 {strides = array<i32>} : memref<10000x64xf32, #tpu.memory_space<vmem>>, vector<10000x64xf32>,
    return
  }
}

module attributes {stable_mosaic.version = 14 : i64} {
  func.func @_mid_body(%arg0: memref<10000x64xf32, #tpu.memory_space<vmem>>, %arg1: memref<10000x64xf32, #tpu.memory_space<vmem>>, %arg2: memref<10240x1xf32, #tpu.memory_space<vmem>>, %arg3: memref<1x128xf32, #tpu.memory_space<vmem>>, %arg4: memref<128x128xf32, #tpu.memory_space<vmem>>, %arg5: memref<10000x64xf32, #tpu.memory_space<vmem>>, %arg6: memref<10000x64xf32, #tpu.memory_space<vmem>>) attributes {dimension_semantics = [], scalar_prefetch = 0 : i64, scratch_operands = 0 : i64, tpu.core_type = #tpu.core_type<tc>} {
    %get3A = arith.constant 0 : index
    %get3A_0 = arith.constant 0 : index
    %get3A_1 = vector.load %arg2[%get3A, %get3A_0] : memref<10240x1xf32, #tpu.memory_space<vmem>>, vector<10240x1xf32>
    %slice3A = vector.extract_strided_slice %get3A_1 {offsets = [0, 0], sizes = [10000, 1], strides = [1, 1]} : vector<10240x1xf32> to vector<10000x1xf32>
    %add3A = arith.constant 1.000000e+00 : f32
    %add3A_2 = vector.broadcast %add3A : f32 to vector<10000x1xf32>
    %add3A_3 = arith.addf %slice3A, %add3A_2 : vector<10000x1xf32>
    %rsqrt3A = math.rsqrt %add3A_3 : vector<10000x1xf32>
    %get3A_4 = arith.constant 0 : index
    %get3A_5 = arith.constant 0 : index
    %get3A_6 = vector.load %arg0[%get3A_4, %get3A_5] : memref<10000x64xf32, #tpu.memory_space<vmem>>, vector<10000x64xf32>
    %get3A_7 = arith.constant 0 : index
    %get3A_8 = arith.constant 0 : index
    %get3A_9 = vector.load %arg1[%get3A_7, %get3A_8] : memref<10000x64xf32, #tpu.memory_space<vmem>>, vector<10000x64xf32>
    %concatenate3A = tpu.concatenate %get3A_6, %get3A_9 in 1 : vector<10000x64xf32>, vector<10000x64xf32> -> vector<10000x128xf32>
    %mul3A = vector.broadcast %rsqrt3A : vector<10000x1xf32> to vector<10000x128xf32>
    %mul3A_10 = arith.mulf %concatenate3A, %mul3A : vector<10000x128xf32>
    %get3A_11 = arith.constant 0 : index
    %get3A_12 = arith.constant 0 : index
    %get3A_13 = vector.load %arg3[%get3A_11, %get3A_12] : memref<1x128xf32, #tpu.memory_space<vmem>>, vector<1x128xf32>
    %add3A_14 = vector.broadcast %get3A_13 : vector<1x128xf32> to vector<10000x128xf32>
    %add3A_15 = arith.addf %mul3A_10, %add3A_14 : vector<10000x128xf32>
    %max3A = arith.constant 0.000000e+00 : f32
    %max3A_16 = vector.broadcast %max3A : f32 to vector<10000x128xf32>
    %max3A_17 = arith.maximumf %add3A_15, %max3A_16 : vector<10000x128xf32>
    %get3A_18 = arith.constant 0 : index
    %get3A_19 = arith.constant 0 : index
    %get3A_20 = vector.load %arg4[%get3A_18, %get3A_19] : memref<128x128xf32, #tpu.memory_space<vmem>>, vector<128x128xf32>
    %dot_general3A = arith.constant dense<0.000000e+00> : vector<10000x128xf32>
    %dot_general3A_21 = tpu.matmul %max3A_17, %get3A_20, %dot_general3A {dimension_numbers = #tpu.dot_dimension_numbers<[1], [0], [0], [1], [0, 0, 1, 1], [], []>, transpose_lhs_hint = false} : vector<10000x128xf32>, vector<128x128xf32>, vector<10000x128xf32> -> vector<10000x128xf32>
    %mul3A_22 = vector.broadcast %rsqrt3A : vector<10000x1xf32> to vector<10000x128xf32>
    %mul3A_23 = arith.mulf %dot_general3A_21, %mul3A_22 : vector<10000x128xf32>
    %slice3A_24 = vector.extract_strided_slice %mul3A_23 {offsets = [0, 0], sizes = [10000, 64], strides = [1, 1]} : vector<10000x128xf32> to vector<10000x64xf32>
    %swap3A = arith.constant 0 : index
    %swap3A_25 = arith.constant 0 : index
    %swap3A_26 = vector.load %arg5[%swap3A, %swap3A_25] : memref<10000x64xf32, #tpu.memory_space<vmem>>, vector<10000x64xf32>
    tpu.vector_store %arg5[%swap3A, %swap3A_25], %slice3A_24 {strides = array<i32>} : memref<10000x64xf32, #tpu.memory_space<vmem>>, vector<10000x64xf32>,
    %slice3A_27 = vector.extract_strided_slice %mul3A_23 {offsets = [0, 64], sizes = [10000, 64], strides = [1, 1]} : vector<10000x128xf32> to vector<10000x64xf32>
    %swap3A_28 = arith.constant 0 : index
    %swap3A_29 = arith.constant 0 : index
    %swap3A_30 = vector.load %arg6[%swap3A_28, %swap3A_29] : memref<10000x64xf32, #tpu.memory_space<vmem>>, vector<10000x64xf32>
    tpu.vector_store %arg6[%swap3A_28, %swap3A_29], %slice3A_27 {strides = array<i32>} : memref<10000x64xf32, #tpu.memory_space<vmem>>, vector<10000x64xf32>,
    return
  }
}

module attributes {stable_mosaic.version = 14 : i64} {
  func.func @_post_body(%arg0: memref<10000x64xf32, #tpu.memory_space<vmem>>, %arg1: memref<10000x64xf32, #tpu.memory_space<vmem>>, %arg2: memref<10240x1xf32, #tpu.memory_space<vmem>>, %arg3: memref<1x128xf32, #tpu.memory_space<vmem>>, %arg4: memref<10000x128xf32, #tpu.memory_space<vmem>>) attributes {dimension_semantics = [], scalar_prefetch = 0 : i64, scratch_operands = 0 : i64, tpu.core_type = #tpu.core_type<tc>} {
    %get3A = arith.constant 0 : index
    %get3A_0 = arith.constant 0 : index
    %get3A_1 = vector.load %arg2[%get3A, %get3A_0] : memref<10240x1xf32, #tpu.memory_space<vmem>>, vector<10240x1xf32>
    %slice3A = vector.extract_strided_slice %get3A_1 {offsets = [0, 0], sizes = [10000, 1], strides = [1, 1]} : vector<10240x1xf32> to vector<10000x1xf32>
    %add3A = arith.constant 1.000000e+00 : f32
    %add3A_2 = vector.broadcast %add3A : f32 to vector<10000x1xf32>
    %add3A_3 = arith.addf %slice3A, %add3A_2 : vector<10000x1xf32>
    %rsqrt3A = math.rsqrt %add3A_3 : vector<10000x1xf32>
    %get3A_4 = arith.constant 0 : index
    %get3A_5 = arith.constant 0 : index
    %get3A_6 = vector.load %arg0[%get3A_4, %get3A_5] : memref<10000x64xf32, #tpu.memory_space<vmem>>, vector<10000x64xf32>
    %get3A_7 = arith.constant 0 : index
    %get3A_8 = arith.constant 0 : index
    %get3A_9 = vector.load %arg1[%get3A_7, %get3A_8] : memref<10000x64xf32, #tpu.memory_space<vmem>>, vector<10000x64xf32>
    %concatenate3A = tpu.concatenate %get3A_6, %get3A_9 in 1 : vector<10000x64xf32>, vector<10000x64xf32> -> vector<10000x128xf32>
    %mul3A = vector.broadcast %rsqrt3A : vector<10000x1xf32> to vector<10000x128xf32>
    %mul3A_10 = arith.mulf %concatenate3A, %mul3A : vector<10000x128xf32>
    %get3A_11 = arith.constant 0 : index
    %get3A_12 = arith.constant 0 : index
    %get3A_13 = vector.load %arg3[%get3A_11, %get3A_12] : memref<1x128xf32, #tpu.memory_space<vmem>>, vector<1x128xf32>
    %add3A_14 = vector.broadcast %get3A_13 : vector<1x128xf32> to vector<10000x128xf32>
    %add3A_15 = arith.addf %mul3A_10, %add3A_14 : vector<10000x128xf32>
    %swap3A = arith.constant 0 : index
    %swap3A_16 = arith.constant 0 : index
    %swap3A_17 = vector.load %arg4[%swap3A, %swap3A_16] : memref<10000x128xf32, #tpu.memory_space<vmem>>, vector<10000x128xf32>
    tpu.vector_store %arg4[%swap3A, %swap3A_16], %add3A_15 {strides = array<i32>} : memref<10000x128xf32, #tpu.memory_space<vmem>>, vector<10000x128xf32>,
    return
  }
}

</mosaic_0001>

<sc_bundles>
// kernel: kernel.11.cloned.1.call-start
scs
__scs_entry_jumppad:
0x0: {  	(pc) =	sbr.rel $0x88, $3  }
0x1: {  	(tag) =	ssettag $0x0;
	lr =	simm.s32 $0x1  }
0x2: {  	[smem:$0x3F9B] =	sst lr;
	_ =	strace $0xD0000000  }
0x3: {  	_ = 	snop  }
0x4: {  	_ = 	snop  }
0x5: {  	_ = 	snop  }
0x6: {  	_ = 	snop  }
0x7: {  	_ = 	snop  }
__scs_overlays_trampoline_lowered:
0x8: {  	[smem:$0x3FAA] =	sst s0  }
0x9: {  	[smem:$0x3FAB] =	sst s1  }
0xa: {  	[smem:$0x3FAC] =	sst s2  }
0xb: {  	[smem:$0x3FAD] =	sst s3  }
0xc: {  	[smem:$0x3FAE] =	sst s4  }
0xd: {  	[smem:$0x3FAF] =	sst s5  }
0xe: {  	[smem:$0x3FB0] =	sst s6  }
0xf: {  	[smem:$0x3FB1] =	sst s7  }
0x10: {  	[smem:$0x3FB2] =	sst s8  }
0x11: {  	[smem:$0x3FB3] =	sst s9;
	s0 =	simm.s32 @!p0 $0x0  }
0x12: {  	s1 =	sld [smem:$0x3F99];
	s0 =	simm.s32 @p0 $0x1  }
0x13: {  	[smem:$0x3FB4] =	sst s0;
	s0 =	simm.s32 @!p1 $0x0  }
0x14: {  	s2 =	sld [smem:$0x3F98];
	s0 =	simm.s32 @p1 $0x1  }
0x15: {  	[smem:$0x3FB5] =	sst s0;
	s0 =	simm.s32 @!p2 $0x0  }
0x16: {  	s3 =	sld [smem:$0x3FDB];
	s0 =	simm.s32 @p2 $0x1  }
0x17: {  	s4 =	simm.s32 $0x1BF5;
	[smem:$0x3FB7] =	sst s0  }
0x18: {  	s0 =	sld [smem:$0x3F9A];
	_ =	swait.ge [sflag:s4], $0x0  }
0x19: {  	s7 =	sld [smem:$0x3F9B]  }
0x1a: {  	s8 =	sadd.s32 $0xFFFFE003, lr  }
0x1b: {  	s9 =	sadd.s32 $0xFFFFFEF7, lr;
	s5 =	simm.s32 $0xFFFFFFFF;
	p2 =	slt.u32 s8, $0xFFFFF086  }
0x1c: {  	p1 =	slt.u32 s9, $0xF7A;
	s5 =	simm.s32 @!p2 $0x0  }
0x1d: {  	s5 =	simm.s32 @p1 $0x1;
	p0 =	seq.s32 s7, s2  }
0x1e: {  	s7 =	smul.u32 @!p0 $0xF7A, s2;
	p2 =	seq.s32 @!p0 s5, $0x0  }
0x1f: {  	s9 =	smul.u32 $0xF7A, s1;
	s8 =	simm.s32 @!p0 $0x1BF5;
	p2 =	por !p2, p0  }
0x20: {  	[sflag:s8] =	ssyncset.s32 @!p0 $0xFFFFF086;
	s6 =	sadd.s32 @!p0 s3, s7;
	s7 =	simm.s32 @!p0 $0x108  }
0x21: {  	s3 =	sadd.s32 s3, s9;
	s6 =	sadd.s32 @!p0 $0x88, s6;
	s7 =	simm.s32 @p2 $0x1082  }
0x22: {  	[simem:s7], [sflag:s8] =	dma.local @!p0 [hbm:s6], $0xF7A  }
0x23: {  	s9 =	sor.u32 $0xD0000000, s2;
	s6 =	simm.s32 $0x108;
	_ =	swait.ge @!p0 [sflag:s8], $0x0  }
0x24: {  	s3 =	sadd.s32 $0x88, s3;
	s6 =	simm.s32 @!p1 $0x1082;
	[sflag:s4] =	ssyncset.s32 $0xFFFFF086  }
0x25: {  	[simem:s6], [sflag:s4] =	dma.local [hbm:s3], $0xF7A  }
0x26: {  	[smem:$0x3F9B] =	sst s1;
	(tag) =	ssettag s2;
	_ =	strace s9  }
0x27: {  	s1 =	sld [smem:$0x3FAB]  }
0x28: {  	s2 =	sld [smem:$0x3FAC]  }
0x29: {  	s4 =	sld [smem:$0x3FAE]  }
0x2a: {  	p0 =	seq.s32 s5, $0x0;
	s5 =	sld [smem:$0x3FAF]  }
0x2b: {  	s6 =	sld [smem:$0x3FB0]  }
0x2c: {  	s7 =	sld [smem:$0x3FB1]  }
0x2d: {  	s3 =	simm.s32 $0x108;
	s8 =	sld [smem:$0x3FB2]  }
0x2e: {  	s3 =	simm.s32 @!p0 $0x1082;
	s9 =	sld [smem:$0x3FB3]  }
0x2f: {  	lr =	sadd.s32 s0, s3;
	s0 =	sld [smem:$0x3FAA]  }
0x30: {  	s3 =	sld [smem:$0x3FAD]  }
0x31: {  	[smem:$0x3FB6] =	sst s10  }
0x32: {  	s10 =	sld [smem:$0x3FB4];
	_ =	sdelay $0x3  }
0x33: {  	p0 =	seq.s32 s10, $0x1;
	s10 =	sld [smem:$0x3FB6];
	_ =	sdelay $0x3  }
0x34: {  	[smem:$0x3FB6] =	sst s10  }
0x35: {  	s10 =	sld [smem:$0x3FB5];
	_ =	sdelay $0x3  }
0x36: {  	p1 =	seq.s32 s10, $0x1;
	s10 =	sld [smem:$0x3FB6];
	_ =	sdelay $0x3  }
0x37: {  	[smem:$0x3FB6] =	sst s10  }
0x38: {  	s10 =	sld [smem:$0x3FB7]  }
0x39: {  	_ = 	snop;
	(pc) =	sbr.ind lr, $3  }
0x3a: {  	_ = 	snop  }
0x3b: {  	_ = 	snop  }
0x3c: {  	p2 =	seq.s32 s10, $0x1;
	s10 =	sld [smem:$0x3FB6]  }
0x3d: {  	_ =	shalt  }
0x3e: {  	_ =	shalt  }
0x3f: {  	_ =	shalt  }
0x40: {  	_ =	shalt  }
0x41: {  	_ =	shalt  }
0x42: {  	_ =	shalt  }
0x43: {  	_ =	shalt  }
0x44: {  	_ =	shalt  }
0x45: {  	_ =	shalt  }
0x46: {  	_ =	shalt  }
0x47: {  	_ =	shalt  }
0x48: {  	_ =	shalt  }
0x49: {  	_ =	shalt  }
0x4a: {  	_ =	shalt  }
0x4b: {  	_ =	shalt  }
0x4c: {  	_ =	shalt  }
0x4d: {  	_ =	shalt  }
0x4e: {  	_ =	shalt  }
0x4f: {  	_ =	shalt  }
0x50: {  	_ =	shalt  }
0x51: {  	_ =	shalt  }
0x52: {  	_ =	shalt  }
0x53: {  	_ =	shalt  }
0x54: {  	_ =	shalt  }
0x55: {  	_ =	shalt  }
0x56: {  	_ =	shalt  }
0x57: {  	_ =	shalt  }
0x58: {  	_ =	shalt  }
0x59: {  	_ =	shalt  }
0x5a: {  	_ =	shalt  }
0x5b: {  	_ =	shalt  }
0x5c: {  	_ =	shalt  }
0x5d: {  	_ =	shalt  }
0x5e: {  	_ =	shalt  }
0x5f: {  	_ =	shalt  }
0x60: {  	_ =	shalt  }
0x61: {  	_ =	shalt  }
0x62: {  	_ =	shalt  }
0x63: {  	_ =	shalt  }
0x64: {  	_ =	shalt  }
0x65: {  	_ =	shalt  }
0x66: {  	_ =	shalt  }
0x67: {  	_ =	shalt  }
0x68: {  	_ =	shalt  }
0x69: {  	_ =	shalt  }
0x6a: {  	_ =	shalt  }
0x6b: {  	_ =	shalt  }
0x6c: {  	_ =	shalt  }
0x6d: {  	_ =	shalt  }
0x6e: {  	_ =	shalt  }
0x6f: {  	_ =	shalt  }
0x70: {  	_ =	shalt  }
0x71: {  	_ =	shalt  }
0x72: {  	_ =	shalt  }
0x73: {  	_ =	shalt  }
0x74: {  	_ =	shalt  }
0x75: {  	_ =	shalt  }
0x76: {  	_ =	shalt  }
0x77: {  	_ =	shalt  }
0x78: {  	_ =	shalt  }
0x79: {  	_ =	shalt  }
0x7a: {  	_ =	shalt  }
0x7b: {  	_ =	shalt  }
0x7c: {  	_ =	shalt  }
0x7d: {  	_ =	shalt  }
0x7e: {  	_ =	shalt  }
0x7f: {  	_ =	shalt  }
0x80: {  	_ =	shalt  }
0x81: {  	_ =	shalt  }
0x82: {  	_ =	shalt  }
0x83: {  	_ =	shalt  }
0x84: {  	_ =	shalt  }
0x85: {  	_ =	shalt  }
0x86: {  	_ =	shalt  }
0x87: {  	_ =	shalt  }
.Lfunc_end0:
.L_simem_size_0:
called_computation.1_lowered:
.L_overlay_start_0:
0x88: {  	s2 =	sld [smem:$0x3FD9]  }
0x89: {  	s3 =	sld [smem:$0x3FFE];
	_ =	sdelay $0x1  }
0x8a: {  	s1 =	srdreg.scid  }
0x8b: {  	s0 =	sand.u32 $0x1, s1  }
0x8c: {  	s17 =	sshll.u32 s0, $0xA;
	s2 =	sadd.s32 s3, s2  }
0x8d: {  	s2 =	sadd.s32 s2, s17  }
0x8e: {  	[smem:$0x3FC2] =	sst s2  }
0x8f: {  	_ = 	snop  }
0x90: {  	s2 =	sld [smem:$0x3FD0];
	(tm) =	ssettm $0x1  }
0x91: {  	s18 =	sld [smem:$0x3FFB];
	_ =	sdelay $0x3  }
0x92: {  	_ =	strace s18  }
0x93: {  	s3 =	sld [smem:$0x3FFC];
	_ =	sdelay $0x3  }
0x94: {  	_ =	strace s3  }
0x95: {  	s3 =	sld [smem:$0x3FFD];
	_ =	sdelay $0x3  }
0x96: {  	_ =	strace s3  }
0x97: {  	_ =	strace $0x8FFFFFFF  }
0x98: {  	s19 =	sld [smem:$0x3FDB];
	_ =	sdelay $0x1  }
0x99: {  	s4 =	simm.s32 $_scs_section_size  }
0x9a: {  	s5 =	simm.s32 $_size__tile_overlayer_lowered;
	s6 =	simm.s32 $_tile_overlayer_lowered  }
0x9b: {  	s22 =	simm.s32 $0x1BFF;
	s21 =	sshll.u32 s6, $0x1;
	s3 =	sadd.s32 s4, s19  }
0x9c: {  	s7 =	simm.s32 $0x0;
	s20 =	sshll.u32 s5, $0x1;
	s5 =	sadd.s32 s21, s3  }
0x9d: {  	[timem:s7], [sflag:s22] =	dma.local [hbm:s5], s20  }
0x9e: {  	_ =	swait.ge [sflag:s22], s20  }
0x9f: {  	s4 =	ssub.s32 $0x0, s20;
	[sflag:s22] =	ssyncset.done $0x0  }
0xa0: {  	[sflag:s22] =	ssyncadd.s32 s4;
	_ =	sdelay $0x1  }
0xa1: {  	s23 =	simm.s32 $0x1B8B  }
0xa2: {  	_ =	swait.ge [sflag:s23], $0x1  }
0xa3: {  	[sflag:s23] =	ssyncset.done $0x0  }
0xa4: {  	s25 =	simm.s32 $0x1B8E;
	s24 =	sld [smem:$0x3FFE];
	[sflag:s23] =	ssyncadd.s32 $0xFFFFFFFF  }
0xa5: {  	s26 =	simm.s32 $execute0_lowered;
	[smem:$0x3FD2] =	sst s25  }
0xa6: {  	s5 =	sshll.u32 s26, $0x1;
	_ =	strace $0x80000049;
	[dreg:$0x1] =	wrdreg $0xFFFFFFFF  }
0xa7: {  	s28 =	simm.s32 $_size_execute0_lowered;
	s3 =	sadd.s32 s3, s5;
	[dreg:$0x0] =	wrdreg $0x0  }
0xa8: {  	s5 =	sshll.u32 s28, $0x1;
	[dreg:$0x2] =	wrdreg s3  }
0xa9: {  	[dreg:$0x3] =	wrdreg s5  }
0xaa: {  	[dreg:$0x4] =	wrdreg $0xC0  }
0xab: {  	_ =	task [dreg:s7], $0x5FFFF  }
0xac: {  	[dreg:$0x1] =	wrdreg $0xFFFFFFFF  }
0xad: {  	[dreg:$0x0] =	wrdreg $0x60  }
0xae: {  	[dreg:$0x2] =	wrdreg s2  }
0xaf: {  	[dreg:$0x3] =	wrdreg s24  }
0xb0: {  	[dreg:$0x4] =	wrdreg $0xBD000  }
0xb1: {  	[dreg:$0x5] =	wrdreg $0x9  }
0xb2: {  	_ =	task.clear_ibuf [dreg:s7], $0x6FFFF;
	_ =	strace $0x90000049  }
0xb3: {  	s29 =	simm.s32 $0x9;
	_ =	strace $0x8000004B  }
0xb4: {  	_ =	swait.ge [sflag:s29], $0x1  }
0xb5: {  	[sflag:s29] =	ssyncadd.s32 $0xFFFFFFFF  }
0xb6: {  	_ =	strace $0x9000004B  }
0xb7: {  	_ =	sfence  }
0xb8: {  	s30 =	sld [smem:$0x0];
	_ =	sdelay $0x2  }
0xb9: {  	s31 =	sshll.u32 s1, $0xD;
	s1 =	sshrl.u32 s1, $0x2  }
0xba: {  	s3 =	sand.u32 $0x4000, s31;
	s1 =	sadd.s32 s1, s30  }
0xbb: {  	s0 =	sor.u32 s3, s0;
	s1 =	sshll.u32 s1, $0x11  }
0xbc: {  	s0 =	sor.u32 s1, s0  }
0xbd: {  	s0 =	sadd.s32 $0x8F2B, s0  }
0xbe: {  	[sflag:s0] =	ssyncadd.remote.s32 $0x1  }
0xbf: {  	_ =	sfence.sel $0xFFFF  }
0xc0: {  	[dreg:$0x0] =	wrdreg $0xFFFFFFFF;
	(pc) =	sbr.abs _section_cstart, $3  }
0xc1: {  	[dreg:$0x1] =	wrdreg $0xFFFFFFFF  }
0xc2: {  	_ =	task.clear_ibuf [dreg:s7], $0x2FFFF;
	_ =	strace $0x9FFFFFFF  }
0xc3: {  	(tm) =	ssettm $0x7FFFFFFF  }
tec
execute0_lowered:
.L_overlay_start_1:
0x0: {  	(tag) =	ssettag $0x1  }
0x1: {  	s1 =	rddreg [dreg:$0x0]  }
0x2: {  	s7 =	rddreg [dreg:$0x1]  }
0x3: {  	s3 =	rddreg [dreg:$0x2]  }
0x4: {  	s0 =	rddreg [dreg:$0x3]  }
0x5: {  	s4 =	simm.s32 $0x0;
	s2 =	stileid.u32;
	s8 =	srdreg.scid  }
0x6: {  	s14 =	simm.s32 $0x2;
	s15 =	simm.s32 $0x4E80;
	s18 =	simm.s32 $0x80  }
0x7: {  	s19 =	simm.s32 $0x9D00;
	s20 =	simm.s32 $0x1;
	s21 =	simm.s32 $0x0  }
0x8: {  	[smem:$0x7FF] =	sst s4;
	s6 =	smul.u32 $0x9D0, s2;
	s5 =	sadd.s32 $0x3EA00, s7  }
0x9: {  	s10 =	sand.u32 $0x1, s8;
	s12 =	smul.u32 $0x9C40, s2;
	s16 =	sshll.u32 s2, $0x6  }
0xa: {  	_ =	strace $0x8000004A;
	s8 =	ssub.s32 $0x2, s10;
	p0 =	seq.s32 s10, $0x1  }
.Ltmp0:
0xb: {  	s16 =	sor.u32 $0x1C02, s16;
	s9 =	sadd.s32 s6, s7;
	(pc) =	sbr.rel .LBB2_1-.Ltmp0, $4  }
0xc: {  	s6 =	sadd.s32 $0x65E00, s7;
	s7 =	sadd.s32 $0x52400, s7;
	s11 =	sshrl.u32 s8, $0x1  }
0xd: {  	s17 =	sadd.s32 s12, s3;
	s10 =	sshrl.u32 s12, $0x3;
	s13 =	ssub.s32 s8, s11  }
0xe: {  	s8 =	sadd.s32 $0xCC00, s9;
	s9 =	sadd.s32 $0x2E00, s9;
	s11 =	sadd.s32 s1, s10  }
0xf: {  	s12 =	sadd.s32 s5, s10;
	s17 =	sshrl.u32 s17, $0x3;
	s13 =	smax.u32 s13, $0x1  }
.LBB2_7:
0x10: {  	s22 =	sshra.s32 s22, $0x2;
	[sflag:s14] =	ssyncadd.s32 $0xFFFFE000  }
0x11: {  	[tilespmem:s19], [sflag:$0x1] =	stream.indirect.gather [hbm4b:s5+s18], $0x40, s22, s18, $0xb8;
	[tilespmem:$0x15980] =	vst v63  }
0x12: {  	_ =	swait.ge [sflag:s20], $0x2000  }
0x13: {  	[sflag:s20] =	ssyncset.done $0x0  }
0x14: {  	s22 =	sadd.s32 $0x4E80, s22;
	[sflag:s20] =	ssyncadd.s32 $0xFFFFE000  }
0x15: {  	[spmem:s3] =	stream.indirect.scatter.add.f32 [tilespmem:s19], [sflag:$0x2], $0x40, s22, s18, $0xb8;
	[tilespmem:$0x15980] =	vst v63  }
0x16: {  	_ =	swait.ge [sflag:s14], $0x2000  }
0x17: {  	[sflag:s14] =	ssyncset.done $0x0  }
0x18: {  	s22 =	smov.u32 s7;
	[sflag:s14] =	ssyncadd.s32 $0xFFFFE000  }
.LBB2_8:
0x19: {  	s21 =	sadd.s32 $0x1, s21  }
0x1a: {  	p1 =	sne.s32 s21, s13  }
.Ltmp1:
0x1b: {  	s22 =	sadd.s32 s22, s10;
	[bflag:$0x0] =	sbarrier.arrive $0xFFFF;
	(pc) =	sbr.rel @!p1 .LBB2_9-.Ltmp1, $4  }
0x1c: {  	[hbm:s22], [sflag:s16] =	dma.local [spmem:s17], $0x1388  }
0x1d: {  	_ =	swait.ge [sflag:s14], $0x1388  }
0x1e: {  	[sflag:s14] =	ssyncset.done $0x0  }
0x1f: {  	[sflag:s14] =	ssyncadd.s32 $0xFFFFEC78  }
.LBB2_1:
0x20: {  	[tilespmem:s4], [sflag:$0x2] =	stream.linear.gather [hbm4b:s8+s4], $0x4E80, $0x38;
	[tilespmem:$0x15980] =	vst v63  }
0x21: {  	_ =	swait.ge [sflag:s14], $0x4E80  }
0x22: {  	[sflag:s14] =	ssyncset.done $0x0  }
.Ltmp2:
0x23: {  	[sflag:s14] =	ssyncadd.s32 $0xFFFFB180;
	(pc) =	sbr.rel @!p0 .LBB2_2-.Ltmp2, $4  }
0x24: {  	[tilespmem:s15], [sflag:$0x2] =	stream.linear.gather [hbm4b:s9+s4], $0x4E80, $0x38;
	[tilespmem:$0x15980] =	vst v63  }
0x25: {  	_ =	swait.ge [sflag:s14], $0x4E80  }
0x26: {  	[sflag:s14] =	ssyncset.done $0x0  }
0x27: {  	[sflag:s14] =	ssyncadd.s32 $0xFFFFB180  }
0x28: {  	[spmem:s17], [sflag:s16] =	dma.local [hbm:s12], $0x1388  }
0x29: {  	_ =	swait.ge [sflag:s14], $0x1388  }
0x2a: {  	[sflag:s14] =	ssyncset.done $0x0  }
0x2b: {  	[sflag:s14] =	ssyncadd.s32 $0xFFFFEC78  }
0x2c: {  	s22 =	simm.s32 $0x0;
	[bflag:$0x0] =	sbarrier.arrive $0xFFFF  }
0x2d: {  	[tilespmem:s19], [sflag:$0x1] =	stream.indirect.gather [hbm4b:s5+s18], $0x40, s22, s18, $0xb8;
	[tilespmem:$0x15980] =	vst v63  }
0x2e: {  	_ =	swait.ge [sflag:s20], $0x2000  }
0x2f: {  	[sflag:s20] =	ssyncset.done $0x0  }
0x30: {  	s31 =	simm.s32 $0x4E80;
	[sflag:s20] =	ssyncadd.s32 $0xFFFFE000  }
0x31: {  	[spmem:s3] =	stream.indirect.scatter.add.f32 [tilespmem:s19], [sflag:$0x2], $0x40, s31, s18, $0xb8;
	[tilespmem:$0x15980] =	vst v63  }
0x32: {  	_ =	swait.ge [sflag:s14], $0x2000  }
0x33: {  	s23 =	simm.s32 $0x400;
	s22 =	simm.s32 $0x200;
	[sflag:s14] =	ssyncset.done $0x0  }
.LBB2_6:
0x34: {  	s24 =	sshra.s32 s22, $0x2  }
0x35: {  	[sflag:s14] =	ssyncadd.s32 $0xFFFFE000;
	s22 =	smov.u32 s23;
	s25 =	sadd.s32 $0x200, s23  }
0x36: {  	[tilespmem:s19], [sflag:$0x1] =	stream.indirect.gather [hbm4b:s5+s18], $0x40, s24, s18, $0xb8;
	[tilespmem:$0x15980] =	vst v63  }
0x37: {  	p1 =	sne.s32 s23, $0x13800;
	_ =	swait.ge [sflag:s20], $0x2000  }
.Ltmp3:
0x38: {  	[sflag:s20] =	ssyncset.done $0x0;
	(pc) =	sbr.rel @p1 .LBB2_6-.Ltmp3, $4  }
0x39: {  	s23 =	sadd.s32 $0x4E80, s24;
	[sflag:s20] =	ssyncadd.s32 $0xFFFFE000  }
0x3a: {  	[spmem:s3] =	stream.indirect.scatter.add.f32 [tilespmem:s19], [sflag:$0x2], $0x40, s23, s18, $0xb8;
	[tilespmem:$0x15980] =	vst v63  }
0x3b: {  	_ =	swait.ge [sflag:s14], $0x2000  }
0x3c: {  	s23 =	smov.u32 s25;
	[sflag:s14] =	ssyncset.done $0x0  }
.Ltmp4:
0x3d: {  	_ = 	snop;
	(pc) =	sbr.rel .LBB2_7-.Ltmp4, $1  }
0x3e: {  	_ =	sdelay $0x3  }
.LBB2_2:
0x3f: {  	[spmem:s17], [sflag:s16] =	dma.local [hbm:s11], $0x1388  }
0x40: {  	_ =	swait.ge [sflag:s14], $0x1388  }
0x41: {  	[sflag:s14] =	ssyncset.done $0x0  }
0x42: {  	[sflag:s14] =	ssyncadd.s32 $0xFFFFEC78  }
0x43: {  	s22 =	simm.s32 $0x0;
	[bflag:$0x0] =	sbarrier.arrive $0xFFFF  }
0x44: {  	[tilespmem:s19], [sflag:$0x1] =	stream.indirect.gather [hbm4b:s1+s18], $0x40, s22, s18, $0xb8;
	[tilespmem:$0x15980] =	vst v63  }
0x45: {  	_ =	swait.ge [sflag:s20], $0x2000  }
0x46: {  	[sflag:s20] =	ssyncset.done $0x0  }
0x47: {  	s31 =	simm.s32 $0x4E80;
	[sflag:s20] =	ssyncadd.s32 $0xFFFFE000  }
0x48: {  	[spmem:s3] =	stream.indirect.scatter.add.f32 [tilespmem:s19], [sflag:$0x2], $0x40, s31, s18, $0xb8;
	[tilespmem:$0x15980] =	vst v63  }
0x49: {  	_ =	swait.ge [sflag:s14], $0x2000  }
0x4a: {  	s23 =	simm.s32 $0x400;
	s22 =	simm.s32 $0x200;
	[sflag:s14] =	ssyncset.done $0x0  }
.LBB2_3:
0x4b: {  	s24 =	sshra.s32 s22, $0x2  }
0x4c: {  	[sflag:s14] =	ssyncadd.s32 $0xFFFFE000;
	s22 =	smov.u32 s23;
	s25 =	sadd.s32 $0x200, s23  }
0x4d: {  	[tilespmem:s19], [sflag:$0x1] =	stream.indirect.gather [hbm4b:s1+s18], $0x40, s24, s18, $0xb8;
	[tilespmem:$0x15980] =	vst v63  }
0x4e: {  	p1 =	seq.s32 s23, $0x13800;
	_ =	swait.ge [sflag:s20], $0x2000  }
.Ltmp5:
0x4f: {  	[sflag:s20] =	ssyncset.done $0x0;
	(pc) =	sbr.rel @!p1 .LBB2_3-.Ltmp5, $4  }
0x50: {  	s23 =	sadd.s32 $0x4E80, s24;
	[sflag:s20] =	ssyncadd.s32 $0xFFFFE000  }
0x51: {  	[spmem:s3] =	stream.indirect.scatter.add.f32 [tilespmem:s19], [sflag:$0x2], $0x40, s23, s18, $0xb8;
	[tilespmem:$0x15980] =	vst v63  }
0x52: {  	_ =	swait.ge [sflag:s14], $0x2000  }
0x53: {  	s23 =	smov.u32 s25;
	[sflag:s14] =	ssyncset.done $0x0  }
0x54: {  	s22 =	sshra.s32 s22, $0x2;
	[sflag:s14] =	ssyncadd.s32 $0xFFFFE000  }
0x55: {  	[tilespmem:s19], [sflag:$0x1] =	stream.indirect.gather [hbm4b:s1+s18], $0x40, s22, s18, $0xb8;
	[tilespmem:$0x15980] =	vst v63  }
0x56: {  	_ =	swait.ge [sflag:s20], $0x2000  }
0x57: {  	[sflag:s20] =	ssyncset.done $0x0  }
.Ltmp6:
0x58: {  	s22 =	sadd.s32 $0x4E80, s22;
	[sflag:s20] =	ssyncadd.s32 $0xFFFFE000;
	(pc) =	sbr.rel .LBB2_8-.Ltmp6, $4  }
0x59: {  	[spmem:s3] =	stream.indirect.scatter.add.f32 [tilespmem:s19], [sflag:$0x2], $0x40, s22, s18, $0xb8;
	[tilespmem:$0x15980] =	vst v63  }
0x5a: {  	_ =	swait.ge [sflag:s14], $0x2000  }
0x5b: {  	[sflag:s14] =	ssyncset.done $0x0  }
0x5c: {  	s22 =	smov.u32 s6;
	[sflag:s14] =	ssyncadd.s32 $0xFFFFE000  }
.LBB2_9:
0x5d: {  	_ =	sfence.sel $0x180000  }
0x5e: {  	[bflag:$0x0] =	sbarrier.arrive $0xFFFF  }
0x5f: {  	p0 =	sne.s32 s2, $0x0;
	_ =	strace $0x9000004A  }
0x60: {  	s0 =	sadd.s32 @!p0 $0x100000, s0;
	[bflag:$0x2] =	sbarrier.arrive $0xFFFF  }
0x61: {  	[sflag:s0] =	ssyncadd.tile.s32 @!p0 $0x1;
	_ =	shalt  }
.Lfunc_end2:
_tile_overlayer_lowered:
.L_overlay_start_2:
0x62: {  	(tag) =	ssettag $0x2  }
0x63: {  	s0 =	rddreg [dreg:$0x0];
	s2 =	stileid.u32  }
0x64: {  	s1 =	rddreg [dreg:$0x1];
	p0 =	sne.s32 s2, $0x0  }
0x65: {  	s3 =	rddreg [dreg:$0x2];
	[bflag:$0x3] =	sbarrier.arrive $0xFFFF;
	s2 =	simm.s32 @!p0 $0x1C02  }
0x66: {  	[timem:s3], [sflag:s2] =	dma.local @!p0 [hbm:s0], s1  }
0x67: {  	s0 =	simm.s32 @!p0 $0x2  }
0x68: {  	_ =	swait.ge @!p0 [sflag:s0], s1  }
0x69: {  	s1 =	ssub.s32 @!p0 $0x0, s1;
	[sflag:s0] =	ssyncset.done @!p0 $0x0  }
0x6a: {  	[sflag:s0] =	ssyncadd.s32 @!p0 s1  }
0x6b: {  	[bflag:$0x3] =	sbarrier.arrive $0xFFFF  }
0x6c: {  	_ =	shalt  }

// kernel: kernel.14.cloned.1.call-start
scs
__scs_entry_jumppad:
0x0: {  	(pc) =	sbr.rel $0x88, $3  }
0x1: {  	(tag) =	ssettag $0x0;
	lr =	simm.s32 $0x1  }
0x2: {  	[smem:$0x3F9B] =	sst lr;
	_ =	strace $0xD0000000  }
0x3: {  	_ = 	snop  }
0x4: {  	_ = 	snop  }
0x5: {  	_ = 	snop  }
0x6: {  	_ = 	snop  }
0x7: {  	_ = 	snop  }
__scs_overlays_trampoline_lowered:
0x8: {  	[smem:$0x3FAA] =	sst s0  }
0x9: {  	[smem:$0x3FAB] =	sst s1  }
0xa: {  	[smem:$0x3FAC] =	sst s2  }
0xb: {  	[smem:$0x3FAD] =	sst s3  }
0xc: {  	[smem:$0x3FAE] =	sst s4  }
0xd: {  	[smem:$0x3FAF] =	sst s5  }
0xe: {  	[smem:$0x3FB0] =	sst s6  }
0xf: {  	[smem:$0x3FB1] =	sst s7  }
0x10: {  	[smem:$0x3FB2] =	sst s8  }
0x11: {  	[smem:$0x3FB3] =	sst s9;
	s0 =	simm.s32 @!p0 $0x0  }
0x12: {  	s1 =	sld [smem:$0x3F99];
	s0 =	simm.s32 @p0 $0x1  }
0x13: {  	[smem:$0x3FB4] =	sst s0;
	s0 =	simm.s32 @!p1 $0x0  }
0x14: {  	s2 =	sld [smem:$0x3F98];
	s0 =	simm.s32 @p1 $0x1  }
0x15: {  	[smem:$0x3FB5] =	sst s0;
	s0 =	simm.s32 @!p2 $0x0  }
0x16: {  	s3 =	sld [smem:$0x3FDB];
	s0 =	simm.s32 @p2 $0x1  }
0x17: {  	s4 =	simm.s32 $0x1BF5;
	[smem:$0x3FB7] =	sst s0  }
0x18: {  	s0 =	sld [smem:$0x3F9A];
	_ =	swait.ge [sflag:s4], $0x0  }
0x19: {  	s7 =	sld [smem:$0x3F9B]  }
0x1a: {  	s8 =	sadd.s32 $0xFFFFE003, lr  }
0x1b: {  	s9 =	sadd.s32 $0xFFFFFEF7, lr;
	s5 =	simm.s32 $0xFFFFFFFF;
	p2 =	slt.u32 s8, $0xFFFFF086  }
0x1c: {  	p1 =	slt.u32 s9, $0xF7A;
	s5 =	simm.s32 @!p2 $0x0  }
0x1d: {  	s5 =	simm.s32 @p1 $0x1;
	p0 =	seq.s32 s7, s2  }
0x1e: {  	s7 =	smul.u32 @!p0 $0xF7A, s2;
	p2 =	seq.s32 @!p0 s5, $0x0  }
0x1f: {  	s9 =	smul.u32 $0xF7A, s1;
	s8 =	simm.s32 @!p0 $0x1BF5;
	p2 =	por !p2, p0  }
0x20: {  	[sflag:s8] =	ssyncset.s32 @!p0 $0xFFFFF086;
	s6 =	sadd.s32 @!p0 s3, s7;
	s7 =	simm.s32 @!p0 $0x108  }
0x21: {  	s3 =	sadd.s32 s3, s9;
	s6 =	sadd.s32 @!p0 $0x88, s6;
	s7 =	simm.s32 @p2 $0x1082  }
0x22: {  	[simem:s7], [sflag:s8] =	dma.local @!p0 [hbm:s6], $0xF7A  }
0x23: {  	s9 =	sor.u32 $0xD0000000, s2;
	s6 =	simm.s32 $0x108;
	_ =	swait.ge @!p0 [sflag:s8], $0x0  }
0x24: {  	s3 =	sadd.s32 $0x88, s3;
	s6 =	simm.s32 @!p1 $0x1082;
	[sflag:s4] =	ssyncset.s32 $0xFFFFF086  }
0x25: {  	[simem:s6], [sflag:s4] =	dma.local [hbm:s3], $0xF7A  }
0x26: {  	[smem:$0x3F9B] =	sst s1;
	(tag) =	ssettag s2;
	_ =	strace s9  }
0x27: {  	s1 =	sld [smem:$0x3FAB]  }
0x28: {  	s2 =	sld [smem:$0x3FAC]  }
0x29: {  	s4 =	sld [smem:$0x3FAE]  }
0x2a: {  	p0 =	seq.s32 s5, $0x0;
	s5 =	sld [smem:$0x3FAF]  }
0x2b: {  	s6 =	sld [smem:$0x3FB0]  }
0x2c: {  	s7 =	sld [smem:$0x3FB1]  }
0x2d: {  	s3 =	simm.s32 $0x108;
	s8 =	sld [smem:$0x3FB2]  }
0x2e: {  	s3 =	simm.s32 @!p0 $0x1082;
	s9 =	sld [smem:$0x3FB3]  }
0x2f: {  	lr =	sadd.s32 s0, s3;
	s0 =	sld [smem:$0x3FAA]  }
0x30: {  	s3 =	sld [smem:$0x3FAD]  }
0x31: {  	[smem:$0x3FB6] =	sst s10  }
0x32: {  	s10 =	sld [smem:$0x3FB4];
	_ =	sdelay $0x3  }
0x33: {  	p0 =	seq.s32 s10, $0x1;
	s10 =	sld [smem:$0x3FB6];
	_ =	sdelay $0x3  }
0x34: {  	[smem:$0x3FB6] =	sst s10  }
0x35: {  	s10 =	sld [smem:$0x3FB5];
	_ =	sdelay $0x3  }
0x36: {  	p1 =	seq.s32 s10, $0x1;
	s10 =	sld [smem:$0x3FB6];
	_ =	sdelay $0x3  }
0x37: {  	[smem:$0x3FB6] =	sst s10  }
0x38: {  	s10 =	sld [smem:$0x3FB7]  }
0x39: {  	_ = 	snop;
	(pc) =	sbr.ind lr, $3  }
0x3a: {  	_ = 	snop  }
0x3b: {  	_ = 	snop  }
0x3c: {  	p2 =	seq.s32 s10, $0x1;
	s10 =	sld [smem:$0x3FB6]  }
0x3d: {  	_ =	shalt  }
0x3e: {  	_ =	shalt  }
0x3f: {  	_ =	shalt  }
0x40: {  	_ =	shalt  }
0x41: {  	_ =	shalt  }
0x42: {  	_ =	shalt  }
0x43: {  	_ =	shalt  }
0x44: {  	_ =	shalt  }
0x45: {  	_ =	shalt  }
0x46: {  	_ =	shalt  }
0x47: {  	_ =	shalt  }
0x48: {  	_ =	shalt  }
0x49: {  	_ =	shalt  }
0x4a: {  	_ =	shalt  }
0x4b: {  	_ =	shalt  }
0x4c: {  	_ =	shalt  }
0x4d: {  	_ =	shalt  }
0x4e: {  	_ =	shalt  }
0x4f: {  	_ =	shalt  }
0x50: {  	_ =	shalt  }
0x51: {  	_ =	shalt  }
0x52: {  	_ =	shalt  }
0x53: {  	_ =	shalt  }
0x54: {  	_ =	shalt  }
0x55: {  	_ =	shalt  }
0x56: {  	_ =	shalt  }
0x57: {  	_ =	shalt  }
0x58: {  	_ =	shalt  }
0x59: {  	_ =	shalt  }
0x5a: {  	_ =	shalt  }
0x5b: {  	_ =	shalt  }
0x5c: {  	_ =	shalt  }
0x5d: {  	_ =	shalt  }
0x5e: {  	_ =	shalt  }
0x5f: {  	_ =	shalt  }
0x60: {  	_ =	shalt  }
0x61: {  	_ =	shalt  }
0x62: {  	_ =	shalt  }
0x63: {  	_ =	shalt  }
0x64: {  	_ =	shalt  }
0x65: {  	_ =	shalt  }
0x66: {  	_ =	shalt  }
0x67: {  	_ =	shalt  }
0x68: {  	_ =	shalt  }
0x69: {  	_ =	shalt  }
0x6a: {  	_ =	shalt  }
0x6b: {  	_ =	shalt  }
0x6c: {  	_ =	shalt  }
0x6d: {  	_ =	shalt  }
0x6e: {  	_ =	shalt  }
0x6f: {  	_ =	shalt  }
0x70: {  	_ =	shalt  }
0x71: {  	_ =	shalt  }
0x72: {  	_ =	shalt  }
0x73: {  	_ =	shalt  }
0x74: {  	_ =	shalt  }
0x75: {  	_ =	shalt  }
0x76: {  	_ =	shalt  }
0x77: {  	_ =	shalt  }
0x78: {  	_ =	shalt  }
0x79: {  	_ =	shalt  }
0x7a: {  	_ =	shalt  }
0x7b: {  	_ =	shalt  }
0x7c: {  	_ =	shalt  }
0x7d: {  	_ =	shalt  }
0x7e: {  	_ =	shalt  }
0x7f: {  	_ =	shalt  }
0x80: {  	_ =	shalt  }
0x81: {  	_ =	shalt  }
0x82: {  	_ =	shalt  }
0x83: {  	_ =	shalt  }
0x84: {  	_ =	shalt  }
0x85: {  	_ =	shalt  }
0x86: {  	_ =	shalt  }
0x87: {  	_ =	shalt  }
.Lfunc_end0:
.L_simem_size_0:
called_computation.2_lowered:
.L_overlay_start_0:
0x88: {  	s2 =	sld [smem:$0x3FD9]  }
0x89: {  	s3 =	sld [smem:$0x3FFE];
	_ =	sdelay $0x1  }
0x8a: {  	s1 =	srdreg.scid  }
0x8b: {  	s0 =	sand.u32 $0x1, s1  }
0x8c: {  	s17 =	sshll.u32 s0, $0xA;
	s2 =	sadd.s32 s3, s2  }
0x8d: {  	s2 =	sadd.s32 s2, s17  }
0x8e: {  	[smem:$0x3FC2] =	sst s2  }
0x8f: {  	_ = 	snop  }
0x90: {  	s2 =	sld [smem:$0x3FD0];
	(tm) =	ssettm $0x1  }
0x91: {  	s18 =	sld [smem:$0x3FFB];
	_ =	sdelay $0x3  }
0x92: {  	_ =	strace s18  }
0x93: {  	s3 =	sld [smem:$0x3FFC];
	_ =	sdelay $0x3  }
0x94: {  	_ =	strace s3  }
0x95: {  	s3 =	sld [smem:$0x3FFD];
	_ =	sdelay $0x3  }
0x96: {  	_ =	strace s3  }
0x97: {  	_ =	strace $0x8FFFFFFF  }
0x98: {  	s19 =	sld [smem:$0x3FDB];
	_ =	sdelay $0x1  }
0x99: {  	s4 =	simm.s32 $_scs_section_size  }
0x9a: {  	s5 =	simm.s32 $_size__tile_overlayer_lowered;
	s6 =	simm.s32 $_tile_overlayer_lowered  }
0x9b: {  	s22 =	simm.s32 $0x1BFF;
	s21 =	sshll.u32 s6, $0x1;
	s3 =	sadd.s32 s4, s19  }
0x9c: {  	s7 =	simm.s32 $0x0;
	s20 =	sshll.u32 s5, $0x1;
	s5 =	sadd.s32 s21, s3  }
0x9d: {  	[timem:s7], [sflag:s22] =	dma.local [hbm:s5], s20  }
0x9e: {  	_ =	swait.ge [sflag:s22], s20  }
0x9f: {  	s4 =	ssub.s32 $0x0, s20;
	[sflag:s22] =	ssyncset.done $0x0  }
0xa0: {  	[sflag:s22] =	ssyncadd.s32 s4;
	_ =	sdelay $0x1  }
0xa1: {  	s23 =	simm.s32 $0x1B8B  }
0xa2: {  	_ =	swait.ge [sflag:s23], $0x1  }
0xa3: {  	[sflag:s23] =	ssyncset.done $0x0  }
0xa4: {  	s25 =	simm.s32 $0x1B8E;
	s24 =	sld [smem:$0x3FFE];
	[sflag:s23] =	ssyncadd.s32 $0xFFFFFFFF  }
0xa5: {  	s26 =	simm.s32 $execute0_lowered;
	[smem:$0x3FD2] =	sst s25  }
0xa6: {  	s5 =	sshll.u32 s26, $0x1;
	_ =	strace $0x8000004C;
	[dreg:$0x1] =	wrdreg $0xFFFFFFFF  }
0xa7: {  	s28 =	simm.s32 $_size_execute0_lowered;
	s3 =	sadd.s32 s3, s5;
	[dreg:$0x0] =	wrdreg $0x0  }
0xa8: {  	s5 =	sshll.u32 s28, $0x1;
	[dreg:$0x2] =	wrdreg s3  }
0xa9: {  	[dreg:$0x3] =	wrdreg s5  }
0xaa: {  	[dreg:$0x4] =	wrdreg $0xC0  }
0xab: {  	_ =	task [dreg:s7], $0x5FFFF  }
0xac: {  	[dreg:$0x1] =	wrdreg $0xFFFFFFFF  }
0xad: {  	[dreg:$0x0] =	wrdreg $0x60  }
0xae: {  	[dreg:$0x2] =	wrdreg s2  }
0xaf: {  	[dreg:$0x3] =	wrdreg s24  }
0xb0: {  	[dreg:$0x4] =	wrdreg $0xBD000  }
0xb1: {  	[dreg:$0x5] =	wrdreg $0x9  }
0xb2: {  	_ =	task.clear_ibuf [dreg:s7], $0x6FFFF;
	_ =	strace $0x9000004C  }
0xb3: {  	s29 =	simm.s32 $0x9;
	_ =	strace $0x8000004E  }
0xb4: {  	_ =	swait.ge [sflag:s29], $0x1  }
0xb5: {  	[sflag:s29] =	ssyncadd.s32 $0xFFFFFFFF  }
0xb6: {  	_ =	strace $0x9000004E  }
0xb7: {  	_ =	sfence  }
0xb8: {  	s30 =	sld [smem:$0x0];
	_ =	sdelay $0x2  }
0xb9: {  	s31 =	sshll.u32 s1, $0xD;
	s1 =	sshrl.u32 s1, $0x2  }
0xba: {  	s3 =	sand.u32 $0x4000, s31;
	s1 =	sadd.s32 s1, s30  }
0xbb: {  	s0 =	sor.u32 s3, s0;
	s1 =	sshll.u32 s1, $0x11  }
0xbc: {  	s0 =	sor.u32 s1, s0  }
0xbd: {  	s0 =	sadd.s32 $0x8F2B, s0  }
0xbe: {  	[sflag:s0] =	ssyncadd.remote.s32 $0x1  }
0xbf: {  	_ =	sfence.sel $0xFFFF  }
0xc0: {  	[dreg:$0x0] =	wrdreg $0xFFFFFFFF;
	(pc) =	sbr.abs _section_cstart, $3  }
0xc1: {  	[dreg:$0x1] =	wrdreg $0xFFFFFFFF  }
0xc2: {  	_ =	task.clear_ibuf [dreg:s7], $0x2FFFF;
	_ =	strace $0x9FFFFFFF  }
0xc3: {  	(tm) =	ssettm $0x7FFFFFFF  }
tec
execute0_lowered:
.L_overlay_start_1:
0x0: {  	(tag) =	ssettag $0x1  }
0x1: {  	s1 =	rddreg [dreg:$0x0]  }
0x2: {  	s7 =	rddreg [dreg:$0x1]  }
0x3: {  	s3 =	rddreg [dreg:$0x2]  }
0x4: {  	s0 =	rddreg [dreg:$0x3]  }
0x5: {  	s4 =	simm.s32 $0x0;
	s2 =	stileid.u32;
	s8 =	srdreg.scid  }
0x6: {  	s14 =	simm.s32 $0x2;
	s15 =	simm.s32 $0x4E80;
	s18 =	simm.s32 $0x80  }
0x7: {  	s19 =	simm.s32 $0x9D00;
	s20 =	simm.s32 $0x1;
	s21 =	simm.s32 $0x0  }
0x8: {  	[smem:$0x7FF] =	sst s4;
	s6 =	smul.u32 $0x9D0, s2;
	s5 =	sadd.s32 $0x3EA00, s7  }
0x9: {  	s10 =	sand.u32 $0x1, s8;
	s12 =	smul.u32 $0x9C40, s2;
	s16 =	sshll.u32 s2, $0x6  }
0xa: {  	_ =	strace $0x8000004D;
	s8 =	ssub.s32 $0x2, s10;
	p0 =	seq.s32 s10, $0x1  }
.Ltmp0:
0xb: {  	s16 =	sor.u32 $0x1C02, s16;
	s9 =	sadd.s32 s6, s7;
	(pc) =	sbr.rel .LBB2_1-.Ltmp0, $4  }
0xc: {  	s6 =	sadd.s32 $0x65E00, s7;
	s7 =	sadd.s32 $0x52400, s7;
	s11 =	sshrl.u32 s8, $0x1  }
0xd: {  	s17 =	sadd.s32 s12, s3;
	s10 =	sshrl.u32 s12, $0x3;
	s13 =	ssub.s32 s8, s11  }
0xe: {  	s8 =	sadd.s32 $0xCC00, s9;
	s9 =	sadd.s32 $0x2E00, s9;
	s11 =	sadd.s32 s1, s10  }
0xf: {  	s12 =	sadd.s32 s5, s10;
	s17 =	sshrl.u32 s17, $0x3;
	s13 =	smax.u32 s13, $0x1  }
.LBB2_7:
0x10: {  	s22 =	sshra.s32 s22, $0x2;
	[sflag:s14] =	ssyncadd.s32 $0xFFFFE000  }
0x11: {  	[tilespmem:s19], [sflag:$0x1] =	stream.indirect.gather [hbm4b:s5+s18], $0x40, s22, s18, $0xb8;
	[tilespmem:$0x15980] =	vst v63  }
0x12: {  	_ =	swait.ge [sflag:s20], $0x2000  }
0x13: {  	[sflag:s20] =	ssyncset.done $0x0  }
0x14: {  	s22 =	sadd.s32 $0x4E80, s22;
	[sflag:s20] =	ssyncadd.s32 $0xFFFFE000  }
0x15: {  	[spmem:s3] =	stream.indirect.scatter.add.f32 [tilespmem:s19], [sflag:$0x2], $0x40, s22, s18, $0xb8;
	[tilespmem:$0x15980] =	vst v63  }
0x16: {  	_ =	swait.ge [sflag:s14], $0x2000  }
0x17: {  	[sflag:s14] =	ssyncset.done $0x0  }
0x18: {  	s22 =	smov.u32 s7;
	[sflag:s14] =	ssyncadd.s32 $0xFFFFE000  }
.LBB2_8:
0x19: {  	s21 =	sadd.s32 $0x1, s21  }
0x1a: {  	p1 =	sne.s32 s21, s13  }
.Ltmp1:
0x1b: {  	s22 =	sadd.s32 s22, s10;
	[bflag:$0x0] =	sbarrier.arrive $0xFFFF;
	(pc) =	sbr.rel @!p1 .LBB2_9-.Ltmp1, $4  }
0x1c: {  	[hbm:s22], [sflag:s16] =	dma.local [spmem:s17], $0x1388  }
0x1d: {  	_ =	swait.ge [sflag:s14], $0x1388  }
0x1e: {  	[sflag:s14] =	ssyncset.done $0x0  }
0x1f: {  	[sflag:s14] =	ssyncadd.s32 $0xFFFFEC78  }
.LBB2_1:
0x20: {  	[tilespmem:s4], [sflag:$0x2] =	stream.linear.gather [hbm4b:s8+s4], $0x4E80, $0x38;
	[tilespmem:$0x15980] =	vst v63  }
0x21: {  	_ =	swait.ge [sflag:s14], $0x4E80  }
0x22: {  	[sflag:s14] =	ssyncset.done $0x0  }
.Ltmp2:
0x23: {  	[sflag:s14] =	ssyncadd.s32 $0xFFFFB180;
	(pc) =	sbr.rel @!p0 .LBB2_2-.Ltmp2, $4  }
0x24: {  	[tilespmem:s15], [sflag:$0x2] =	stream.linear.gather [hbm4b:s9+s4], $0x4E80, $0x38;
	[tilespmem:$0x15980] =	vst v63  }
0x25: {  	_ =	swait.ge [sflag:s14], $0x4E80  }
0x26: {  	[sflag:s14] =	ssyncset.done $0x0  }
0x27: {  	[sflag:s14] =	ssyncadd.s32 $0xFFFFB180  }
0x28: {  	[spmem:s17], [sflag:s16] =	dma.local [hbm:s12], $0x1388  }
0x29: {  	_ =	swait.ge [sflag:s14], $0x1388  }
0x2a: {  	[sflag:s14] =	ssyncset.done $0x0  }
0x2b: {  	[sflag:s14] =	ssyncadd.s32 $0xFFFFEC78  }
0x2c: {  	s22 =	simm.s32 $0x0;
	[bflag:$0x0] =	sbarrier.arrive $0xFFFF  }
0x2d: {  	[tilespmem:s19], [sflag:$0x1] =	stream.indirect.gather [hbm4b:s5+s18], $0x40, s22, s18, $0xb8;
	[tilespmem:$0x15980] =	vst v63  }
0x2e: {  	_ =	swait.ge [sflag:s20], $0x2000  }
0x2f: {  	[sflag:s20] =	ssyncset.done $0x0  }
0x30: {  	s31 =	simm.s32 $0x4E80;
	[sflag:s20] =	ssyncadd.s32 $0xFFFFE000  }
0x31: {  	[spmem:s3] =	stream.indirect.scatter.add.f32 [tilespmem:s19], [sflag:$0x2], $0x40, s31, s18, $0xb8;
	[tilespmem:$0x15980] =	vst v63  }
0x32: {  	_ =	swait.ge [sflag:s14], $0x2000  }
0x33: {  	s23 =	simm.s32 $0x400;
	s22 =	simm.s32 $0x200;
	[sflag:s14] =	ssyncset.done $0x0  }
.LBB2_6:
0x34: {  	s24 =	sshra.s32 s22, $0x2  }
0x35: {  	[sflag:s14] =	ssyncadd.s32 $0xFFFFE000;
	s22 =	smov.u32 s23;
	s25 =	sadd.s32 $0x200, s23  }
0x36: {  	[tilespmem:s19], [sflag:$0x1] =	stream.indirect.gather [hbm4b:s5+s18], $0x40, s24, s18, $0xb8;
	[tilespmem:$0x15980] =	vst v63  }
0x37: {  	p1 =	sne.s32 s23, $0x13800;
	_ =	swait.ge [sflag:s20], $0x2000  }
.Ltmp3:
0x38: {  	[sflag:s20] =	ssyncset.done $0x0;
	(pc) =	sbr.rel @p1 .LBB2_6-.Ltmp3, $4  }
0x39: {  	s23 =	sadd.s32 $0x4E80, s24;
	[sflag:s20] =	ssyncadd.s32 $0xFFFFE000  }
0x3a: {  	[spmem:s3] =	stream.indirect.scatter.add.f32 [tilespmem:s19], [sflag:$0x2], $0x40, s23, s18, $0xb8;
	[tilespmem:$0x15980] =	vst v63  }
0x3b: {  	_ =	swait.ge [sflag:s14], $0x2000  }
0x3c: {  	s23 =	smov.u32 s25;
	[sflag:s14] =	ssyncset.done $0x0  }
.Ltmp4:
0x3d: {  	_ = 	snop;
	(pc) =	sbr.rel .LBB2_7-.Ltmp4, $1  }
0x3e: {  	_ =	sdelay $0x3  }
.LBB2_2:
0x3f: {  	[spmem:s17], [sflag:s16] =	dma.local [hbm:s11], $0x1388  }
0x40: {  	_ =	swait.ge [sflag:s14], $0x1388  }
0x41: {  	[sflag:s14] =	ssyncset.done $0x0  }
0x42: {  	[sflag:s14] =	ssyncadd.s32 $0xFFFFEC78  }
0x43: {  	s22 =	simm.s32 $0x0;
	[bflag:$0x0] =	sbarrier.arrive $0xFFFF  }
0x44: {  	[tilespmem:s19], [sflag:$0x1] =	stream.indirect.gather [hbm4b:s1+s18], $0x40, s22, s18, $0xb8;
	[tilespmem:$0x15980] =	vst v63  }
0x45: {  	_ =	swait.ge [sflag:s20], $0x2000  }
0x46: {  	[sflag:s20] =	ssyncset.done $0x0  }
0x47: {  	s31 =	simm.s32 $0x4E80;
	[sflag:s20] =	ssyncadd.s32 $0xFFFFE000  }
0x48: {  	[spmem:s3] =	stream.indirect.scatter.add.f32 [tilespmem:s19], [sflag:$0x2], $0x40, s31, s18, $0xb8;
	[tilespmem:$0x15980] =	vst v63  }
0x49: {  	_ =	swait.ge [sflag:s14], $0x2000  }
0x4a: {  	s23 =	simm.s32 $0x400;
	s22 =	simm.s32 $0x200;
	[sflag:s14] =	ssyncset.done $0x0  }
.LBB2_3:
0x4b: {  	s24 =	sshra.s32 s22, $0x2  }
0x4c: {  	[sflag:s14] =	ssyncadd.s32 $0xFFFFE000;
	s22 =	smov.u32 s23;
	s25 =	sadd.s32 $0x200, s23  }
0x4d: {  	[tilespmem:s19], [sflag:$0x1] =	stream.indirect.gather [hbm4b:s1+s18], $0x40, s24, s18, $0xb8;
	[tilespmem:$0x15980] =	vst v63  }
0x4e: {  	p1 =	seq.s32 s23, $0x13800;
	_ =	swait.ge [sflag:s20], $0x2000  }
.Ltmp5:
0x4f: {  	[sflag:s20] =	ssyncset.done $0x0;
	(pc) =	sbr.rel @!p1 .LBB2_3-.Ltmp5, $4  }
0x50: {  	s23 =	sadd.s32 $0x4E80, s24;
	[sflag:s20] =	ssyncadd.s32 $0xFFFFE000  }
0x51: {  	[spmem:s3] =	stream.indirect.scatter.add.f32 [tilespmem:s19], [sflag:$0x2], $0x40, s23, s18, $0xb8;
	[tilespmem:$0x15980] =	vst v63  }
0x52: {  	_ =	swait.ge [sflag:s14], $0x2000  }
0x53: {  	s23 =	smov.u32 s25;
	[sflag:s14] =	ssyncset.done $0x0  }
0x54: {  	s22 =	sshra.s32 s22, $0x2;
	[sflag:s14] =	ssyncadd.s32 $0xFFFFE000  }
0x55: {  	[tilespmem:s19], [sflag:$0x1] =	stream.indirect.gather [hbm4b:s1+s18], $0x40, s22, s18, $0xb8;
	[tilespmem:$0x15980] =	vst v63  }
0x56: {  	_ =	swait.ge [sflag:s20], $0x2000  }
0x57: {  	[sflag:s20] =	ssyncset.done $0x0  }
.Ltmp6:
0x58: {  	s22 =	sadd.s32 $0x4E80, s22;
	[sflag:s20] =	ssyncadd.s32 $0xFFFFE000;
	(pc) =	sbr.rel .LBB2_8-.Ltmp6, $4  }
0x59: {  	[spmem:s3] =	stream.indirect.scatter.add.f32 [tilespmem:s19], [sflag:$0x2], $0x40, s22, s18, $0xb8;
	[tilespmem:$0x15980] =	vst v63  }
0x5a: {  	_ =	swait.ge [sflag:s14], $0x2000  }
0x5b: {  	[sflag:s14] =	ssyncset.done $0x0  }
0x5c: {  	s22 =	smov.u32 s6;
	[sflag:s14] =	ssyncadd.s32 $0xFFFFE000  }
.LBB2_9:
0x5d: {  	_ =	sfence.sel $0x180000  }
0x5e: {  	[bflag:$0x0] =	sbarrier.arrive $0xFFFF  }
0x5f: {  	p0 =	sne.s32 s2, $0x0;
	_ =	strace $0x9000004D  }
0x60: {  	s0 =	sadd.s32 @!p0 $0x100000, s0;
	[bflag:$0x2] =	sbarrier.arrive $0xFFFF  }
0x61: {  	[sflag:s0] =	ssyncadd.tile.s32 @!p0 $0x1;
	_ =	shalt  }
.Lfunc_end2:
_tile_overlayer_lowered:
.L_overlay_start_2:
0x62: {  	(tag) =	ssettag $0x2  }
0x63: {  	s0 =	rddreg [dreg:$0x0];
	s2 =	stileid.u32  }
0x64: {  	s1 =	rddreg [dreg:$0x1];
	p0 =	sne.s32 s2, $0x0  }
0x65: {  	s3 =	rddreg [dreg:$0x2];
	[bflag:$0x3] =	sbarrier.arrive $0xFFFF;
	s2 =	simm.s32 @!p0 $0x1C02  }
0x66: {  	[timem:s3], [sflag:s2] =	dma.local @!p0 [hbm:s0], s1  }
0x67: {  	s0 =	simm.s32 @!p0 $0x2  }
0x68: {  	_ =	swait.ge @!p0 [sflag:s0], s1  }
0x69: {  	s1 =	ssub.s32 @!p0 $0x0, s1;
	[sflag:s0] =	ssyncset.done @!p0 $0x0  }
0x6a: {  	[sflag:s0] =	ssyncadd.s32 @!p0 s1  }
0x6b: {  	[bflag:$0x3] =	sbarrier.arrive $0xFFFF  }
0x6c: {  	_ =	shalt  }

// kernel: kernel.8.cloned.1.call-start
scs
__scs_entry_jumppad:
0x0: {  	(pc) =	sbr.rel $0x88, $3  }
0x1: {  	(tag) =	ssettag $0x0;
	lr =	simm.s32 $0x1  }
0x2: {  	[smem:$0x3F9B] =	sst lr;
	_ =	strace $0xD0000000  }
0x3: {  	_ = 	snop  }
0x4: {  	_ = 	snop  }
0x5: {  	_ = 	snop  }
0x6: {  	_ = 	snop  }
0x7: {  	_ = 	snop  }
__scs_overlays_trampoline_lowered:
0x8: {  	[smem:$0x3FAA] =	sst s0  }
0x9: {  	[smem:$0x3FAB] =	sst s1  }
0xa: {  	[smem:$0x3FAC] =	sst s2  }
0xb: {  	[smem:$0x3FAD] =	sst s3  }
0xc: {  	[smem:$0x3FAE] =	sst s4  }
0xd: {  	[smem:$0x3FAF] =	sst s5  }
0xe: {  	[smem:$0x3FB0] =	sst s6  }
0xf: {  	[smem:$0x3FB1] =	sst s7  }
0x10: {  	[smem:$0x3FB2] =	sst s8  }
0x11: {  	[smem:$0x3FB3] =	sst s9;
	s0 =	simm.s32 @!p0 $0x0  }
0x12: {  	s1 =	sld [smem:$0x3F99];
	s0 =	simm.s32 @p0 $0x1  }
0x13: {  	[smem:$0x3FB4] =	sst s0;
	s0 =	simm.s32 @!p1 $0x0  }
0x14: {  	s2 =	sld [smem:$0x3F98];
	s0 =	simm.s32 @p1 $0x1  }
0x15: {  	[smem:$0x3FB5] =	sst s0;
	s0 =	simm.s32 @!p2 $0x0  }
0x16: {  	s3 =	sld [smem:$0x3FDB];
	s0 =	simm.s32 @p2 $0x1  }
0x17: {  	s4 =	simm.s32 $0x1BF5;
	[smem:$0x3FB7] =	sst s0  }
0x18: {  	s0 =	sld [smem:$0x3F9A];
	_ =	swait.ge [sflag:s4], $0x0  }
0x19: {  	s7 =	sld [smem:$0x3F9B]  }
0x1a: {  	s8 =	sadd.s32 $0xFFFFE003, lr  }
0x1b: {  	s9 =	sadd.s32 $0xFFFFFEF7, lr;
	s5 =	simm.s32 $0xFFFFFFFF;
	p2 =	slt.u32 s8, $0xFFFFF086  }
0x1c: {  	p1 =	slt.u32 s9, $0xF7A;
	s5 =	simm.s32 @!p2 $0x0  }
0x1d: {  	s5 =	simm.s32 @p1 $0x1;
	p0 =	seq.s32 s7, s2  }
0x1e: {  	s7 =	smul.u32 @!p0 $0xF7A, s2;
	p2 =	seq.s32 @!p0 s5, $0x0  }
0x1f: {  	s9 =	smul.u32 $0xF7A, s1;
	s8 =	simm.s32 @!p0 $0x1BF5;
	p2 =	por !p2, p0  }
0x20: {  	[sflag:s8] =	ssyncset.s32 @!p0 $0xFFFFF086;
	s6 =	sadd.s32 @!p0 s3, s7;
	s7 =	simm.s32 @!p0 $0x108  }
0x21: {  	s3 =	sadd.s32 s3, s9;
	s6 =	sadd.s32 @!p0 $0x88, s6;
	s7 =	simm.s32 @p2 $0x1082  }
0x22: {  	[simem:s7], [sflag:s8] =	dma.local @!p0 [hbm:s6], $0xF7A  }
0x23: {  	s9 =	sor.u32 $0xD0000000, s2;
	s6 =	simm.s32 $0x108;
	_ =	swait.ge @!p0 [sflag:s8], $0x0  }
0x24: {  	s3 =	sadd.s32 $0x88, s3;
	s6 =	simm.s32 @!p1 $0x1082;
	[sflag:s4] =	ssyncset.s32 $0xFFFFF086  }
0x25: {  	[simem:s6], [sflag:s4] =	dma.local [hbm:s3], $0xF7A  }
0x26: {  	[smem:$0x3F9B] =	sst s1;
	(tag) =	ssettag s2;
	_ =	strace s9  }
0x27: {  	s1 =	sld [smem:$0x3FAB]  }
0x28: {  	s2 =	sld [smem:$0x3FAC]  }
0x29: {  	s4 =	sld [smem:$0x3FAE]  }
0x2a: {  	p0 =	seq.s32 s5, $0x0;
	s5 =	sld [smem:$0x3FAF]  }
0x2b: {  	s6 =	sld [smem:$0x3FB0]  }
0x2c: {  	s7 =	sld [smem:$0x3FB1]  }
0x2d: {  	s3 =	simm.s32 $0x108;
	s8 =	sld [smem:$0x3FB2]  }
0x2e: {  	s3 =	simm.s32 @!p0 $0x1082;
	s9 =	sld [smem:$0x3FB3]  }
0x2f: {  	lr =	sadd.s32 s0, s3;
	s0 =	sld [smem:$0x3FAA]  }
0x30: {  	s3 =	sld [smem:$0x3FAD]  }
0x31: {  	[smem:$0x3FB6] =	sst s10  }
0x32: {  	s10 =	sld [smem:$0x3FB4];
	_ =	sdelay $0x3  }
0x33: {  	p0 =	seq.s32 s10, $0x1;
	s10 =	sld [smem:$0x3FB6];
	_ =	sdelay $0x3  }
0x34: {  	[smem:$0x3FB6] =	sst s10  }
0x35: {  	s10 =	sld [smem:$0x3FB5];
	_ =	sdelay $0x3  }
0x36: {  	p1 =	seq.s32 s10, $0x1;
	s10 =	sld [smem:$0x3FB6];
	_ =	sdelay $0x3  }
0x37: {  	[smem:$0x3FB6] =	sst s10  }
0x38: {  	s10 =	sld [smem:$0x3FB7]  }
0x39: {  	_ = 	snop;
	(pc) =	sbr.ind lr, $3  }
0x3a: {  	_ = 	snop  }
0x3b: {  	_ = 	snop  }
0x3c: {  	p2 =	seq.s32 s10, $0x1;
	s10 =	sld [smem:$0x3FB6]  }
0x3d: {  	_ =	shalt  }
0x3e: {  	_ =	shalt  }
0x3f: {  	_ =	shalt  }
0x40: {  	_ =	shalt  }
0x41: {  	_ =	shalt  }
0x42: {  	_ =	shalt  }
0x43: {  	_ =	shalt  }
0x44: {  	_ =	shalt  }
0x45: {  	_ =	shalt  }
0x46: {  	_ =	shalt  }
0x47: {  	_ =	shalt  }
0x48: {  	_ =	shalt  }
0x49: {  	_ =	shalt  }
0x4a: {  	_ =	shalt  }
0x4b: {  	_ =	shalt  }
0x4c: {  	_ =	shalt  }
0x4d: {  	_ =	shalt  }
0x4e: {  	_ =	shalt  }
0x4f: {  	_ =	shalt  }
0x50: {  	_ =	shalt  }
0x51: {  	_ =	shalt  }
0x52: {  	_ =	shalt  }
0x53: {  	_ =	shalt  }
0x54: {  	_ =	shalt  }
0x55: {  	_ =	shalt  }
0x56: {  	_ =	shalt  }
0x57: {  	_ =	shalt  }
0x58: {  	_ =	shalt  }
0x59: {  	_ =	shalt  }
0x5a: {  	_ =	shalt  }
0x5b: {  	_ =	shalt  }
0x5c: {  	_ =	shalt  }
0x5d: {  	_ =	shalt  }
0x5e: {  	_ =	shalt  }
0x5f: {  	_ =	shalt  }
0x60: {  	_ =	shalt  }
0x61: {  	_ =	shalt  }
0x62: {  	_ =	shalt  }
0x63: {  	_ =	shalt  }
0x64: {  	_ =	shalt  }
0x65: {  	_ =	shalt  }
0x66: {  	_ =	shalt  }
0x67: {  	_ =	shalt  }
0x68: {  	_ =	shalt  }
0x69: {  	_ =	shalt  }
0x6a: {  	_ =	shalt  }
0x6b: {  	_ =	shalt  }
0x6c: {  	_ =	shalt  }
0x6d: {  	_ =	shalt  }
0x6e: {  	_ =	shalt  }
0x6f: {  	_ =	shalt  }
0x70: {  	_ =	shalt  }
0x71: {  	_ =	shalt  }
0x72: {  	_ =	shalt  }
0x73: {  	_ =	shalt  }
0x74: {  	_ =	shalt  }
0x75: {  	_ =	shalt  }
0x76: {  	_ =	shalt  }
0x77: {  	_ =	shalt  }
0x78: {  	_ =	shalt  }
0x79: {  	_ =	shalt  }
0x7a: {  	_ =	shalt  }
0x7b: {  	_ =	shalt  }
0x7c: {  	_ =	shalt  }
0x7d: {  	_ =	shalt  }
0x7e: {  	_ =	shalt  }
0x7f: {  	_ =	shalt  }
0x80: {  	_ =	shalt  }
0x81: {  	_ =	shalt  }
0x82: {  	_ =	shalt  }
0x83: {  	_ =	shalt  }
0x84: {  	_ =	shalt  }
0x85: {  	_ =	shalt  }
0x86: {  	_ =	shalt  }
0x87: {  	_ =	shalt  }
.Lfunc_end0:
.L_simem_size_0:
called_computation_lowered:
.L_overlay_start_0:
0x88: {  	s2 =	sld [smem:$0x3FD9]  }
0x89: {  	s3 =	sld [smem:$0x3FFE];
	_ =	sdelay $0x1  }
0x8a: {  	s1 =	srdreg.scid  }
0x8b: {  	s0 =	sand.u32 $0x1, s1  }
0x8c: {  	s17 =	sshll.u32 s0, $0xA;
	s2 =	sadd.s32 s3, s2  }
0x8d: {  	s2 =	sadd.s32 s2, s17  }
0x8e: {  	[smem:$0x3FC2] =	sst s2  }
0x8f: {  	_ = 	snop  }
0x90: {  	s2 =	sld [smem:$0x3FD0];
	(tm) =	ssettm $0x1  }
0x91: {  	s18 =	sld [smem:$0x3FFB];
	_ =	sdelay $0x3  }
0x92: {  	_ =	strace s18  }
0x93: {  	s3 =	sld [smem:$0x3FFC];
	_ =	sdelay $0x3  }
0x94: {  	_ =	strace s3  }
0x95: {  	s3 =	sld [smem:$0x3FFD];
	_ =	sdelay $0x3  }
0x96: {  	_ =	strace s3  }
0x97: {  	_ =	strace $0x8FFFFFFF  }
0x98: {  	s19 =	sld [smem:$0x3FDB];
	_ =	sdelay $0x1  }
0x99: {  	s4 =	simm.s32 $_scs_section_size  }
0x9a: {  	s5 =	simm.s32 $_size__tile_overlayer_lowered;
	s6 =	simm.s32 $_tile_overlayer_lowered  }
0x9b: {  	s22 =	simm.s32 $0x1BFF;
	s21 =	sshll.u32 s6, $0x1;
	s3 =	sadd.s32 s4, s19  }
0x9c: {  	s7 =	simm.s32 $0x0;
	s20 =	sshll.u32 s5, $0x1;
	s5 =	sadd.s32 s21, s3  }
0x9d: {  	[timem:s7], [sflag:s22] =	dma.local [hbm:s5], s20  }
0x9e: {  	_ =	swait.ge [sflag:s22], s20  }
0x9f: {  	s4 =	ssub.s32 $0x0, s20;
	[sflag:s22] =	ssyncset.done $0x0  }
0xa0: {  	[sflag:s22] =	ssyncadd.s32 s4;
	_ =	sdelay $0x1  }
0xa1: {  	s23 =	simm.s32 $0x1B8B  }
0xa2: {  	_ =	swait.ge [sflag:s23], $0x1  }
0xa3: {  	[sflag:s23] =	ssyncset.done $0x0  }
0xa4: {  	s25 =	simm.s32 $0x1B8E;
	s24 =	sld [smem:$0x3FFE];
	[sflag:s23] =	ssyncadd.s32 $0xFFFFFFFF  }
0xa5: {  	s26 =	simm.s32 $execute0_lowered;
	[smem:$0x3FD2] =	sst s25  }
0xa6: {  	s5 =	sshll.u32 s26, $0x1;
	_ =	strace $0x80000046;
	[dreg:$0x1] =	wrdreg $0xFFFFFFFF  }
0xa7: {  	s28 =	simm.s32 $_size_execute0_lowered;
	s3 =	sadd.s32 s3, s5;
	[dreg:$0x0] =	wrdreg $0x0  }
0xa8: {  	s5 =	sshll.u32 s28, $0x1;
	[dreg:$0x2] =	wrdreg s3  }
0xa9: {  	[dreg:$0x3] =	wrdreg s5  }
0xaa: {  	[dreg:$0x4] =	wrdreg $0xC0  }
0xab: {  	_ =	task [dreg:s7], $0x5FFFF  }
0xac: {  	[dreg:$0x1] =	wrdreg $0xFFFFFFFF  }
0xad: {  	[dreg:$0x0] =	wrdreg $0x60  }
0xae: {  	[dreg:$0x2] =	wrdreg s24  }
0xaf: {  	[dreg:$0x3] =	wrdreg s2  }
0xb0: {  	[dreg:$0x4] =	wrdreg $0x7B800  }
0xb1: {  	[dreg:$0x5] =	wrdreg $0x9  }
0xb2: {  	_ =	task.clear_ibuf [dreg:s7], $0x6FFFF;
	_ =	strace $0x90000046  }
0xb3: {  	s29 =	simm.s32 $0x9;
	_ =	strace $0x80000048  }
0xb4: {  	_ =	swait.ge [sflag:s29], $0x1  }
0xb5: {  	[sflag:s29] =	ssyncadd.s32 $0xFFFFFFFF  }
0xb6: {  	_ =	strace $0x90000048  }
0xb7: {  	_ =	sfence  }
0xb8: {  	s30 =	sld [smem:$0x0];
	_ =	sdelay $0x2  }
0xb9: {  	s31 =	sshll.u32 s1, $0xD;
	s1 =	sshrl.u32 s1, $0x2  }
0xba: {  	s3 =	sand.u32 $0x4000, s31;
	s1 =	sadd.s32 s1, s30  }
0xbb: {  	s0 =	sor.u32 s3, s0;
	s1 =	sshll.u32 s1, $0x11  }
0xbc: {  	s0 =	sor.u32 s1, s0  }
0xbd: {  	s0 =	sadd.s32 $0x8F2B, s0  }
0xbe: {  	[sflag:s0] =	ssyncadd.remote.s32 $0x1  }
0xbf: {  	_ =	sfence.sel $0xFFFF  }
0xc0: {  	[dreg:$0x0] =	wrdreg $0xFFFFFFFF;
	(pc) =	sbr.abs _section_cstart, $3  }
0xc1: {  	[dreg:$0x1] =	wrdreg $0xFFFFFFFF  }
0xc2: {  	_ =	task.clear_ibuf [dreg:s7], $0x2FFFF;
	_ =	strace $0x9FFFFFFF  }
0xc3: {  	(tm) =	ssettm $0x7FFFFFFF  }
tec
execute0_lowered:
.L_overlay_start_1:
0x0: {  	(tag) =	ssettag $0x1  }
0x1: {  	s1 =	srdreg.scid  }
0x2: {  	s1 =	sand.u32 $0x1, s1  }
0x3: {  	p0 =	seq.s32 s1, $0x1  }
.Ltmp0:
0x4: {  	s4 =	rddreg [dreg:$0x0];
	(pc) =	sbr.rel @p0 .LBB2_38-.Ltmp0, $4  }
0x5: {  	s2 =	rddreg [dreg:$0x1]  }
0x6: {  	s5 =	rddreg [dreg:$0x2];
	s3 =	simm.s32 $0x0  }
0x7: {  	[smem:$0x7FF] =	sst s3  }
0x8: {  	s0 =	rddreg [dreg:$0x3];
	_ =	strace $0x80000047;
	s1 =	stileid.u32  }
0x9: {  	s6 =	smul.u32 $0xA000, s1  }
0xa: {  	s20 =	smul.u32 $0x280, s1  }
0xb: {  	s4 =	sadd.s32 $0x2E00, s4;
	s31 =	smul.u32 $0x9D0, s1  }
0xc: {  	s21 =	simm.s32 $0x1;
	s6 =	sshrl.u32 s6, $0x2;
	s18 =	sadd.s32 s20, s5  }
0xd: {  	s4 =	sadd.s32 s4, s31;
	s20 =	sshrl.u32 s20, $0x3;
	s19 =	sadd.s32 s6, s5  }
0xe: {  	s17 =	sadd.s32 $0x2800, s18;
	s16 =	sadd.s32 $0x5000, s18;
	s15 =	sadd.s32 $0x7800, s18  }
0xf: {  	s14 =	sadd.s32 $0xA000, s18;
	s13 =	sadd.s32 $0xC800, s18;
	s12 =	sadd.s32 $0xF000, s18  }
0x10: {  	s11 =	sadd.s32 $0x11800, s18;
	s10 =	sadd.s32 $0x14000, s18;
	s9 =	sadd.s32 $0x16800, s18  }
0x11: {  	[tilespmem:s3], [sflag:$0x1] =	stream.linear.gather [hbm4b:s4+s3], $0x4E80, $0x38;
	[tilespmem:$0xA380] =	vst v63  }
0x12: {  	s8 =	sadd.s32 $0x19000, s18;
	s7 =	sadd.s32 $0x1B800, s18;
	s6 =	sadd.s32 $0x1E000, s18  }
0x13: {  	s5 =	sadd.s32 $0x20800, s18;
	s4 =	sadd.s32 $0x23000, s18;
	_ =	swait.ge [sflag:s21], $0x4E80  }
0x14: {  	s3 =	sadd.s32 $0x25800, s18;
	s2 =	sadd.s32 s2, s20;
	[sflag:s21] =	ssyncset.done $0x0  }
0x15: {  	v0 =	vimm.f32 $0.0e+00;
	s20 =	simm.s32 $0x40;
	[sflag:s21] =	ssyncadd.s32 $0xFFFFB180;
	s21 =	simm.s32 $0x0  }
.LBB2_2:
0x16: {  	p0 =	sne.s32 s20, $0x9FC0;
	[tilespmem:s21+$0x4E80] =	vst v0;
	s21 =	smov.u32 s20;
	s20 =	sadd.s32 $0x40, s20  }
.Ltmp1:
0x17: {  	(pc) =	sbr.rel @p0 .LBB2_2-.Ltmp1, $2  }
0x18: {  	_ =	sdelay $0x2  }
0x19: {  	s21 =	sshra.s32 s21, $0x2  }
0x1a: {  	[tilespmem:s21+$0x4E80] =	vst v0;
	s20 =	simm.s32 $0x0;
	v0 =	vimm.f32 $1.000000000e+00;
	s21 =	simm.s32 $0x4E80  }
.LBB2_4:
0x1b: {  	s22 =	sshra.s32 s20, $0x2  }
0x1c: {  	v1 =	vld [tilespmem:s22+$0x0];
	_ =	sdelay $0x7  }
0x1d: {  	[tilespmem:v1+s21+$0x0] =	vst.idx.add.f32.msk $0xffff, v0  }
0x1e: {  	v1 =	vld [tilespmem:s22+$0x10];
	_ =	sdelay $0x7  }
0x1f: {  	[tilespmem:v1+s21+$0x0] =	vst.idx.add.f32.msk $0xffff, v0  }
0x20: {  	v1 =	vld [tilespmem:s22+$0x20];
	_ =	sdelay $0x7  }
0x21: {  	[tilespmem:v1+s21+$0x0] =	vst.idx.add.f32.msk $0xffff, v0  }
0x22: {  	v1 =	vld [tilespmem:s22+$0x30];
	_ =	sdelay $0x7  }
0x23: {  	[tilespmem:v1+s21+$0x0] =	vst.idx.add.f32.msk $0xffff, v0  }
0x24: {  	v1 =	vld [tilespmem:s22+$0x40];
	_ =	sdelay $0x7  }
0x25: {  	[tilespmem:v1+s21+$0x0] =	vst.idx.add.f32.msk $0xffff, v0  }
0x26: {  	v1 =	vld [tilespmem:s22+$0x50];
	_ =	sdelay $0x7  }
0x27: {  	[tilespmem:v1+s21+$0x0] =	vst.idx.add.f32.msk $0xffff, v0  }
0x28: {  	v1 =	vld [tilespmem:s22+$0x60];
	_ =	sdelay $0x7  }
0x29: {  	[tilespmem:v1+s21+$0x0] =	vst.idx.add.f32.msk $0xffff, v0  }
0x2a: {  	v1 =	vld [tilespmem:s22+$0x70];
	_ =	sdelay $0x2  }
0x2b: {  	p0 =	sne.s32 s20, $0x13800  }
.Ltmp2:
0x2c: {  	_ = 	snop;
	(pc) =	sbr.rel @p0 .LBB2_4-.Ltmp2, $2  }
0x2d: {  	_ =	sdelay $0x2  }
0x2e: {  	s20 =	sadd.s32 $0x200, s20;
	[tilespmem:v1+s21+$0x0] =	vst.idx.add.f32.msk $0xffff, v0  }
0x2f: {  	s20 =	simm.s32 $0x4E80;
	s30 =	simm.s32 $0x1  }
0x30: {  	[spmem:s19] =	stream.linear.scatter [tilespmem:s20], [sflag:$0x1], $0x2800, $0x38;
	[tilespmem:$0xA380] =	vst v63  }
0x31: {  	_ =	swait.ge [sflag:s30], $0x2800  }
0x32: {  	[sflag:s30] =	ssyncset.done $0x0  }
0x33: {  	[sflag:s30] =	ssyncadd.s32 $0xFFFFD800  }
0x34: {  	s31 =	simm.s32 $0x7680;
	[bflag:$0x0] =	sbarrier.arrive $0xFFFF  }
0x35: {  	[tilespmem:s31], [sflag:$0x1] =	stream.linear.gather [spmem:s18], $0x280, $0x38;
	[tilespmem:$0xA380] =	vst v63  }
0x36: {  	_ =	swait.ge [sflag:s30], $0x280  }
0x37: {  	[sflag:s30] =	ssyncset.done $0x0  }
0x38: {  	s18 =	simm.s32 $0x0;
	[sflag:s30] =	ssyncadd.s32 $0xFFFFFD80  }
0x39: {  	s19 =	simm.s32 $0x40;
	v0 =	vld [tilespmem:s18+$0x7680]  }
.LBB2_6:
0x3a: {  	p0 =	sne.s32 s19, $0x9C0  }
.Ltmp3:
0x3b: {  	_ = 	snop;
	(pc) =	sbr.rel @p0 .LBB2_6-.Ltmp3, $3  }
0x3c: {  	_ =	sdelay $0x1  }
0x3d: {  	[tilespmem:s18+$0x7900] =	vst v0;
	s18 =	sshra.s32 s19, $0x2;
	s19 =	sadd.s32 $0x40, s19  }
0x3e: {  	v0 =	vld [tilespmem:s18+$0x7680]  }
0x3f: {  	_ =	sdelay $0x3  }
0x40: {  	s30 =	simm.s32 $0x7680;
	s31 =	simm.s32 $0x1;
	[tilespmem:s18+$0x7900] =	vst v0  }
0x41: {  	[tilespmem:s30], [sflag:$0x1] =	stream.linear.gather [spmem:s17], $0x280, $0x38;
	[tilespmem:$0xA380] =	vst v63  }
0x42: {  	_ =	swait.ge [sflag:s31], $0x280  }
0x43: {  	[sflag:s31] =	ssyncset.done $0x0  }
0x44: {  	s17 =	simm.s32 $0x0;
	[sflag:s31] =	ssyncadd.s32 $0xFFFFFD80  }
0x45: {  	s18 =	simm.s32 $0x40;
	v0 =	vld [tilespmem:s17+$0x7680]  }
.LBB2_8:
0x46: {  	p0 =	sne.s32 s18, $0x9C0;
	v1 =	vld [tilespmem:s17+$0x7900];
	_ =	sdelay $0x2  }
.Ltmp4:
0x47: {  	(pc) =	sbr.rel @p0 .LBB2_8-.Ltmp4, $4  }
0x48: {  	_ = 	snop  }
0x49: {  	v1 =	vadd.f32 v0, v1  }
0x4a: {  	s19 =	sshra.s32 s18, $0x2  }
0x4b: {  	s18 =	sadd.s32 $0x40, s18;
	v0 =	vld [tilespmem:s19+$0x7680];
	[tilespmem:s17+$0x7900] =	vst v1;
	s17 =	smov.u32 s19  }
0x4c: {  	v1 =	vld [tilespmem:s17+$0x7900];
	_ =	sdelay $0x4  }
0x4d: {  	v0 =	vadd.f32 v0, v1;
	_ =	sdelay $0x1  }
0x4e: {  	s30 =	simm.s32 $0x7680;
	s31 =	simm.s32 $0x1;
	[tilespmem:s17+$0x7900] =	vst v0  }
0x4f: {  	[tilespmem:s30], [sflag:$0x1] =	stream.linear.gather [spmem:s16], $0x280, $0x38;
	[tilespmem:$0xA380] =	vst v63  }
0x50: {  	_ =	swait.ge [sflag:s31], $0x280  }
0x51: {  	[sflag:s31] =	ssyncset.done $0x0  }
0x52: {  	s16 =	simm.s32 $0x0;
	[sflag:s31] =	ssyncadd.s32 $0xFFFFFD80  }
0x53: {  	s17 =	simm.s32 $0x40;
	v0 =	vld [tilespmem:s16+$0x7680]  }
.LBB2_10:
0x54: {  	p0 =	sne.s32 s17, $0x9C0;
	v1 =	vld [tilespmem:s16+$0x7900];
	_ =	sdelay $0x2  }
.Ltmp5:
0x55: {  	(pc) =	sbr.rel @p0 .LBB2_10-.Ltmp5, $4  }
0x56: {  	_ = 	snop  }
0x57: {  	v1 =	vadd.f32 v0, v1  }
0x58: {  	s18 =	sshra.s32 s17, $0x2  }
0x59: {  	s17 =	sadd.s32 $0x40, s17;
	v0 =	vld [tilespmem:s18+$0x7680];
	[tilespmem:s16+$0x7900] =	vst v1;
	s16 =	smov.u32 s18  }
0x5a: {  	v1 =	vld [tilespmem:s16+$0x7900];
	_ =	sdelay $0x4  }
0x5b: {  	v0 =	vadd.f32 v0, v1;
	_ =	sdelay $0x1  }
0x5c: {  	s30 =	simm.s32 $0x7680;
	s31 =	simm.s32 $0x1;
	[tilespmem:s16+$0x7900] =	vst v0  }
0x5d: {  	[tilespmem:s30], [sflag:$0x1] =	stream.linear.gather [spmem:s15], $0x280, $0x38;
	[tilespmem:$0xA380] =	vst v63  }
0x5e: {  	_ =	swait.ge [sflag:s31], $0x280  }
0x5f: {  	[sflag:s31] =	ssyncset.done $0x0  }
0x60: {  	s15 =	simm.s32 $0x0;
	[sflag:s31] =	ssyncadd.s32 $0xFFFFFD80  }
0x61: {  	s16 =	simm.s32 $0x40;
	v0 =	vld [tilespmem:s15+$0x7680]  }
.LBB2_12:
0x62: {  	p0 =	sne.s32 s16, $0x9C0;
	v1 =	vld [tilespmem:s15+$0x7900];
	_ =	sdelay $0x2  }
.Ltmp6:
0x63: {  	(pc) =	sbr.rel @p0 .LBB2_12-.Ltmp6, $4  }
0x64: {  	_ = 	snop  }
0x65: {  	v1 =	vadd.f32 v0, v1  }
0x66: {  	s17 =	sshra.s32 s16, $0x2  }
0x67: {  	s16 =	sadd.s32 $0x40, s16;
	v0 =	vld [tilespmem:s17+$0x7680];
	[tilespmem:s15+$0x7900] =	vst v1;
	s15 =	smov.u32 s17  }
0x68: {  	v1 =	vld [tilespmem:s15+$0x7900];
	_ =	sdelay $0x4  }
0x69: {  	v0 =	vadd.f32 v0, v1;
	_ =	sdelay $0x1  }
0x6a: {  	s30 =	simm.s32 $0x7680;
	s31 =	simm.s32 $0x1;
	[tilespmem:s15+$0x7900] =	vst v0  }
0x6b: {  	[tilespmem:s30], [sflag:$0x1] =	stream.linear.gather [spmem:s14], $0x280, $0x38;
	[tilespmem:$0xA380] =	vst v63  }
0x6c: {  	_ =	swait.ge [sflag:s31], $0x280  }
0x6d: {  	[sflag:s31] =	ssyncset.done $0x0  }
0x6e: {  	s14 =	simm.s32 $0x0;
	[sflag:s31] =	ssyncadd.s32 $0xFFFFFD80  }
0x6f: {  	s15 =	simm.s32 $0x40;
	v0 =	vld [tilespmem:s14+$0x7680]  }
.LBB2_14:
0x70: {  	p0 =	sne.s32 s15, $0x9C0;
	v1 =	vld [tilespmem:s14+$0x7900];
	_ =	sdelay $0x2  }
.Ltmp7:
0x71: {  	(pc) =	sbr.rel @p0 .LBB2_14-.Ltmp7, $4  }
0x72: {  	_ = 	snop  }
0x73: {  	v1 =	vadd.f32 v0, v1  }
0x74: {  	s16 =	sshra.s32 s15, $0x2  }
0x75: {  	s15 =	sadd.s32 $0x40, s15;
	v0 =	vld [tilespmem:s16+$0x7680];
	[tilespmem:s14+$0x7900] =	vst v1;
	s14 =	smov.u32 s16  }
0x76: {  	v1 =	vld [tilespmem:s14+$0x7900];
	_ =	sdelay $0x4  }
0x77: {  	v0 =	vadd.f32 v0, v1;
	_ =	sdelay $0x1  }
0x78: {  	s30 =	simm.s32 $0x7680;
	s31 =	simm.s32 $0x1;
	[tilespmem:s14+$0x7900] =	vst v0  }
0x79: {  	[tilespmem:s30], [sflag:$0x1] =	stream.linear.gather [spmem:s13], $0x280, $0x38;
	[tilespmem:$0xA380] =	vst v63  }
0x7a: {  	_ =	swait.ge [sflag:s31], $0x280  }
0x7b: {  	[sflag:s31] =	ssyncset.done $0x0  }
0x7c: {  	s13 =	simm.s32 $0x0;
	[sflag:s31] =	ssyncadd.s32 $0xFFFFFD80  }
0x7d: {  	s14 =	simm.s32 $0x40;
	v0 =	vld [tilespmem:s13+$0x7680]  }
.LBB2_16:
0x7e: {  	p0 =	sne.s32 s14, $0x9C0;
	v1 =	vld [tilespmem:s13+$0x7900];
	_ =	sdelay $0x2  }
.Ltmp8:
0x7f: {  	(pc) =	sbr.rel @p0 .LBB2_16-.Ltmp8, $4  }
0x80: {  	_ = 	snop  }
0x81: {  	v1 =	vadd.f32 v0, v1  }
0x82: {  	s15 =	sshra.s32 s14, $0x2  }
0x83: {  	s14 =	sadd.s32 $0x40, s14;
	v0 =	vld [tilespmem:s15+$0x7680];
	[tilespmem:s13+$0x7900] =	vst v1;
	s13 =	smov.u32 s15  }
0x84: {  	v1 =	vld [tilespmem:s13+$0x7900];
	_ =	sdelay $0x4  }
0x85: {  	v0 =	vadd.f32 v0, v1;
	_ =	sdelay $0x1  }
0x86: {  	s30 =	simm.s32 $0x7680;
	s31 =	simm.s32 $0x1;
	[tilespmem:s13+$0x7900] =	vst v0  }
0x87: {  	[tilespmem:s30], [sflag:$0x1] =	stream.linear.gather [spmem:s12], $0x280, $0x38;
	[tilespmem:$0xA380] =	vst v63  }
0x88: {  	_ =	swait.ge [sflag:s31], $0x280  }
0x89: {  	[sflag:s31] =	ssyncset.done $0x0  }
0x8a: {  	s12 =	simm.s32 $0x0;
	[sflag:s31] =	ssyncadd.s32 $0xFFFFFD80  }
0x8b: {  	s13 =	simm.s32 $0x40;
	v0 =	vld [tilespmem:s12+$0x7680]  }
.LBB2_18:
0x8c: {  	p0 =	sne.s32 s13, $0x9C0;
	v1 =	vld [tilespmem:s12+$0x7900];
	_ =	sdelay $0x2  }
.Ltmp9:
0x8d: {  	(pc) =	sbr.rel @p0 .LBB2_18-.Ltmp9, $4  }
0x8e: {  	_ = 	snop  }
0x8f: {  	v1 =	vadd.f32 v0, v1  }
0x90: {  	s14 =	sshra.s32 s13, $0x2  }
0x91: {  	s13 =	sadd.s32 $0x40, s13;
	v0 =	vld [tilespmem:s14+$0x7680];
	[tilespmem:s12+$0x7900] =	vst v1;
	s12 =	smov.u32 s14  }
0x92: {  	v1 =	vld [tilespmem:s12+$0x7900];
	_ =	sdelay $0x4  }
0x93: {  	v0 =	vadd.f32 v0, v1;
	_ =	sdelay $0x1  }
0x94: {  	s30 =	simm.s32 $0x7680;
	s31 =	simm.s32 $0x1;
	[tilespmem:s12+$0x7900] =	vst v0  }
0x95: {  	[tilespmem:s30], [sflag:$0x1] =	stream.linear.gather [spmem:s11], $0x280, $0x38;
	[tilespmem:$0xA380] =	vst v63  }
0x96: {  	_ =	swait.ge [sflag:s31], $0x280  }
0x97: {  	[sflag:s31] =	ssyncset.done $0x0  }
0x98: {  	s11 =	simm.s32 $0x0;
	[sflag:s31] =	ssyncadd.s32 $0xFFFFFD80  }
0x99: {  	s12 =	simm.s32 $0x40;
	v0 =	vld [tilespmem:s11+$0x7680]  }
.LBB2_20:
0x9a: {  	p0 =	sne.s32 s12, $0x9C0;
	v1 =	vld [tilespmem:s11+$0x7900];
	_ =	sdelay $0x2  }
.Ltmp10:
0x9b: {  	(pc) =	sbr.rel @p0 .LBB2_20-.Ltmp10, $4  }
0x9c: {  	_ = 	snop  }
0x9d: {  	v1 =	vadd.f32 v0, v1  }
0x9e: {  	s13 =	sshra.s32 s12, $0x2  }
0x9f: {  	s12 =	sadd.s32 $0x40, s12;
	v0 =	vld [tilespmem:s13+$0x7680];
	[tilespmem:s11+$0x7900] =	vst v1;
	s11 =	smov.u32 s13  }
0xa0: {  	v1 =	vld [tilespmem:s11+$0x7900];
	_ =	sdelay $0x4  }
0xa1: {  	v0 =	vadd.f32 v0, v1;
	_ =	sdelay $0x1  }
0xa2: {  	s30 =	simm.s32 $0x7680;
	s31 =	simm.s32 $0x1;
	[tilespmem:s11+$0x7900] =	vst v0  }
0xa3: {  	[tilespmem:s30], [sflag:$0x1] =	stream.linear.gather [spmem:s10], $0x280, $0x38;
	[tilespmem:$0xA380] =	vst v63  }
0xa4: {  	_ =	swait.ge [sflag:s31], $0x280  }
0xa5: {  	[sflag:s31] =	ssyncset.done $0x0  }
0xa6: {  	s10 =	simm.s32 $0x0;
	[sflag:s31] =	ssyncadd.s32 $0xFFFFFD80  }
0xa7: {  	s11 =	simm.s32 $0x40;
	v0 =	vld [tilespmem:s10+$0x7680]  }
.LBB2_22:
0xa8: {  	p0 =	sne.s32 s11, $0x9C0;
	v1 =	vld [tilespmem:s10+$0x7900];
	_ =	sdelay $0x2  }
.Ltmp11:
0xa9: {  	(pc) =	sbr.rel @p0 .LBB2_22-.Ltmp11, $4  }
0xaa: {  	_ = 	snop  }
0xab: {  	v1 =	vadd.f32 v0, v1  }
0xac: {  	s12 =	sshra.s32 s11, $0x2  }
0xad: {  	s11 =	sadd.s32 $0x40, s11;
	v0 =	vld [tilespmem:s12+$0x7680];
	[tilespmem:s10+$0x7900] =	vst v1;
	s10 =	smov.u32 s12  }
0xae: {  	v1 =	vld [tilespmem:s10+$0x7900];
	_ =	sdelay $0x4  }
0xaf: {  	v0 =	vadd.f32 v0, v1;
	_ =	sdelay $0x1  }
0xb0: {  	s30 =	simm.s32 $0x7680;
	s31 =	simm.s32 $0x1;
	[tilespmem:s10+$0x7900] =	vst v0  }
0xb1: {  	[tilespmem:s30], [sflag:$0x1] =	stream.linear.gather [spmem:s9], $0x280, $0x38;
	[tilespmem:$0xA380] =	vst v63  }
0xb2: {  	_ =	swait.ge [sflag:s31], $0x280  }
0xb3: {  	[sflag:s31] =	ssyncset.done $0x0  }
0xb4: {  	s9 =	simm.s32 $0x0;
	[sflag:s31] =	ssyncadd.s32 $0xFFFFFD80  }
0xb5: {  	s10 =	simm.s32 $0x40;
	v0 =	vld [tilespmem:s9+$0x7680]  }
.LBB2_24:
0xb6: {  	p0 =	sne.s32 s10, $0x9C0;
	v1 =	vld [tilespmem:s9+$0x7900];
	_ =	sdelay $0x2  }
.Ltmp12:
0xb7: {  	(pc) =	sbr.rel @p0 .LBB2_24-.Ltmp12, $4  }
0xb8: {  	_ = 	snop  }
0xb9: {  	v1 =	vadd.f32 v0, v1  }
0xba: {  	s11 =	sshra.s32 s10, $0x2  }
0xbb: {  	s10 =	sadd.s32 $0x40, s10;
	v0 =	vld [tilespmem:s11+$0x7680];
	[tilespmem:s9+$0x7900] =	vst v1;
	s9 =	smov.u32 s11  }
0xbc: {  	v1 =	vld [tilespmem:s9+$0x7900];
	_ =	sdelay $0x4  }
0xbd: {  	v0 =	vadd.f32 v0, v1;
	_ =	sdelay $0x1  }
0xbe: {  	s30 =	simm.s32 $0x7680;
	s31 =	simm.s32 $0x1;
	[tilespmem:s9+$0x7900] =	vst v0  }
0xbf: {  	[tilespmem:s30], [sflag:$0x1] =	stream.linear.gather [spmem:s8], $0x280, $0x38;
	[tilespmem:$0xA380] =	vst v63  }
0xc0: {  	_ =	swait.ge [sflag:s31], $0x280  }
0xc1: {  	[sflag:s31] =	ssyncset.done $0x0  }
0xc2: {  	s8 =	simm.s32 $0x0;
	[sflag:s31] =	ssyncadd.s32 $0xFFFFFD80  }
0xc3: {  	s9 =	simm.s32 $0x40;
	v0 =	vld [tilespmem:s8+$0x7680]  }
.LBB2_26:
0xc4: {  	p0 =	sne.s32 s9, $0x9C0;
	v1 =	vld [tilespmem:s8+$0x7900];
	_ =	sdelay $0x2  }
.Ltmp13:
0xc5: {  	(pc) =	sbr.rel @p0 .LBB2_26-.Ltmp13, $4  }
0xc6: {  	_ = 	snop  }
0xc7: {  	v1 =	vadd.f32 v0, v1  }
0xc8: {  	s10 =	sshra.s32 s9, $0x2  }
0xc9: {  	s9 =	sadd.s32 $0x40, s9;
	v0 =	vld [tilespmem:s10+$0x7680];
	[tilespmem:s8+$0x7900] =	vst v1;
	s8 =	smov.u32 s10  }
0xca: {  	v1 =	vld [tilespmem:s8+$0x7900];
	_ =	sdelay $0x4  }
0xcb: {  	v0 =	vadd.f32 v0, v1;
	_ =	sdelay $0x1  }
0xcc: {  	s30 =	simm.s32 $0x7680;
	s31 =	simm.s32 $0x1;
	[tilespmem:s8+$0x7900] =	vst v0  }
0xcd: {  	[tilespmem:s30], [sflag:$0x1] =	stream.linear.gather [spmem:s7], $0x280, $0x38;
	[tilespmem:$0xA380] =	vst v63  }
0xce: {  	_ =	swait.ge [sflag:s31], $0x280  }
0xcf: {  	[sflag:s31] =	ssyncset.done $0x0  }
0xd0: {  	s7 =	simm.s32 $0x0;
	[sflag:s31] =	ssyncadd.s32 $0xFFFFFD80  }
0xd1: {  	s8 =	simm.s32 $0x40;
	v0 =	vld [tilespmem:s7+$0x7680]  }
.LBB2_28:
0xd2: {  	p0 =	sne.s32 s8, $0x9C0;
	v1 =	vld [tilespmem:s7+$0x7900];
	_ =	sdelay $0x2  }
.Ltmp14:
0xd3: {  	(pc) =	sbr.rel @p0 .LBB2_28-.Ltmp14, $4  }
0xd4: {  	_ = 	snop  }
0xd5: {  	v1 =	vadd.f32 v0, v1  }
0xd6: {  	s9 =	sshra.s32 s8, $0x2  }
0xd7: {  	s8 =	sadd.s32 $0x40, s8;
	v0 =	vld [tilespmem:s9+$0x7680];
	[tilespmem:s7+$0x7900] =	vst v1;
	s7 =	smov.u32 s9  }
0xd8: {  	v1 =	vld [tilespmem:s7+$0x7900];
	_ =	sdelay $0x4  }
0xd9: {  	v0 =	vadd.f32 v0, v1;
	_ =	sdelay $0x1  }
0xda: {  	s30 =	simm.s32 $0x7680;
	s31 =	simm.s32 $0x1;
	[tilespmem:s7+$0x7900] =	vst v0  }
0xdb: {  	[tilespmem:s30], [sflag:$0x1] =	stream.linear.gather [spmem:s6], $0x280, $0x38;
	[tilespmem:$0xA380] =	vst v63  }
0xdc: {  	_ =	swait.ge [sflag:s31], $0x280  }
0xdd: {  	[sflag:s31] =	ssyncset.done $0x0  }
0xde: {  	s6 =	simm.s32 $0x0;
	[sflag:s31] =	ssyncadd.s32 $0xFFFFFD80  }
0xdf: {  	s7 =	simm.s32 $0x40;
	v0 =	vld [tilespmem:s6+$0x7680]  }
.LBB2_30:
0xe0: {  	p0 =	sne.s32 s7, $0x9C0;
	v1 =	vld [tilespmem:s6+$0x7900];
	_ =	sdelay $0x2  }
.Ltmp15:
0xe1: {  	(pc) =	sbr.rel @p0 .LBB2_30-.Ltmp15, $4  }
0xe2: {  	_ = 	snop  }
0xe3: {  	v1 =	vadd.f32 v0, v1  }
0xe4: {  	s8 =	sshra.s32 s7, $0x2  }
0xe5: {  	s7 =	sadd.s32 $0x40, s7;
	v0 =	vld [tilespmem:s8+$0x7680];
	[tilespmem:s6+$0x7900] =	vst v1;
	s6 =	smov.u32 s8  }
0xe6: {  	v1 =	vld [tilespmem:s6+$0x7900];
	_ =	sdelay $0x4  }
0xe7: {  	v0 =	vadd.f32 v0, v1;
	_ =	sdelay $0x1  }
0xe8: {  	s30 =	simm.s32 $0x7680;
	s31 =	simm.s32 $0x1;
	[tilespmem:s6+$0x7900] =	vst v0  }
0xe9: {  	[tilespmem:s30], [sflag:$0x1] =	stream.linear.gather [spmem:s5], $0x280, $0x38;
	[tilespmem:$0xA380] =	vst v63  }
0xea: {  	_ =	swait.ge [sflag:s31], $0x280  }
0xeb: {  	[sflag:s31] =	ssyncset.done $0x0  }
0xec: {  	s5 =	simm.s32 $0x0;
	[sflag:s31] =	ssyncadd.s32 $0xFFFFFD80  }
0xed: {  	s6 =	simm.s32 $0x40;
	v0 =	vld [tilespmem:s5+$0x7680]  }
.LBB2_32:
0xee: {  	p0 =	sne.s32 s6, $0x9C0;
	v1 =	vld [tilespmem:s5+$0x7900];
	_ =	sdelay $0x2  }
.Ltmp16:
0xef: {  	(pc) =	sbr.rel @p0 .LBB2_32-.Ltmp16, $4  }
0xf0: {  	_ = 	snop  }
0xf1: {  	v1 =	vadd.f32 v0, v1  }
0xf2: {  	s7 =	sshra.s32 s6, $0x2  }
0xf3: {  	s6 =	sadd.s32 $0x40, s6;
	v0 =	vld [tilespmem:s7+$0x7680];
	[tilespmem:s5+$0x7900] =	vst v1;
	s5 =	smov.u32 s7  }
0xf4: {  	v1 =	vld [tilespmem:s5+$0x7900];
	_ =	sdelay $0x4  }
0xf5: {  	v0 =	vadd.f32 v0, v1;
	_ =	sdelay $0x1  }
0xf6: {  	s30 =	simm.s32 $0x7680;
	s31 =	simm.s32 $0x1;
	[tilespmem:s5+$0x7900] =	vst v0  }
0xf7: {  	[tilespmem:s30], [sflag:$0x1] =	stream.linear.gather [spmem:s4], $0x280, $0x38;
	[tilespmem:$0xA380] =	vst v63  }
0xf8: {  	_ =	swait.ge [sflag:s31], $0x280  }
0xf9: {  	[sflag:s31] =	ssyncset.done $0x0  }
0xfa: {  	s4 =	simm.s32 $0x0;
	[sflag:s31] =	ssyncadd.s32 $0xFFFFFD80  }
0xfb: {  	s5 =	simm.s32 $0x40;
	v0 =	vld [tilespmem:s4+$0x7680]  }
.LBB2_34:
0xfc: {  	p0 =	sne.s32 s5, $0x9C0;
	v1 =	vld [tilespmem:s4+$0x7900];
	_ =	sdelay $0x2  }
.Ltmp17:
0xfd: {  	(pc) =	sbr.rel @p0 .LBB2_34-.Ltmp17, $4  }
0xfe: {  	_ = 	snop  }
0xff: {  	v1 =	vadd.f32 v0, v1  }
0x100: {  	s6 =	sshra.s32 s5, $0x2  }
0x101: {  	s5 =	sadd.s32 $0x40, s5;
	v0 =	vld [tilespmem:s6+$0x7680];
	[tilespmem:s4+$0x7900] =	vst v1;
	s4 =	smov.u32 s6  }
0x102: {  	v1 =	vld [tilespmem:s4+$0x7900];
	_ =	sdelay $0x4  }
0x103: {  	v0 =	vadd.f32 v0, v1;
	_ =	sdelay $0x1  }
0x104: {  	s30 =	simm.s32 $0x7680;
	s31 =	simm.s32 $0x1;
	[tilespmem:s4+$0x7900] =	vst v0  }
0x105: {  	[tilespmem:s30], [sflag:$0x1] =	stream.linear.gather [spmem:s3], $0x280, $0x38;
	[tilespmem:$0xA380] =	vst v63  }
0x106: {  	_ =	swait.ge [sflag:s31], $0x280  }
0x107: {  	[sflag:s31] =	ssyncset.done $0x0  }
0x108: {  	s3 =	simm.s32 $0x0;
	[sflag:s31] =	ssyncadd.s32 $0xFFFFFD80  }
0x109: {  	s4 =	simm.s32 $0x40;
	v0 =	vld [tilespmem:s3+$0x7680]  }
.LBB2_36:
0x10a: {  	p0 =	sne.s32 s4, $0x9C0;
	v1 =	vld [tilespmem:s3+$0x7900];
	_ =	sdelay $0x2  }
.Ltmp18:
0x10b: {  	(pc) =	sbr.rel @p0 .LBB2_36-.Ltmp18, $4  }
0x10c: {  	_ = 	snop  }
0x10d: {  	v1 =	vadd.f32 v0, v1  }
0x10e: {  	s5 =	sshra.s32 s4, $0x2  }
0x10f: {  	s4 =	sadd.s32 $0x40, s4;
	v0 =	vld [tilespmem:s5+$0x7680];
	[tilespmem:s3+$0x7900] =	vst v1;
	s3 =	smov.u32 s5  }
0x110: {  	v1 =	vld [tilespmem:s3+$0x7900];
	_ =	sdelay $0x4  }
0x111: {  	v0 =	vadd.f32 v0, v1;
	_ =	sdelay $0x1  }
0x112: {  	s30 =	simm.s32 $0x0;
	s4 =	simm.s32 $0x7900;
	s31 =	simm.s32 $0x1;
	[tilespmem:s3+$0x7900] =	vst v0  }
0x113: {  	[hbm4b:s2+s30] =	stream.linear.scatter [tilespmem:s4], [sflag:$0x1], $0x280, $0x38;
	[tilespmem:$0xA380] =	vst v63  }
0x114: {  	_ =	swait.ge [sflag:s31], $0x280  }
0x115: {  	[sflag:s31] =	ssyncset.done $0x0  }
0x116: {  	[sflag:s31] =	ssyncadd.s32 $0xFFFFFD80  }
.LBB2_38:
0x117: {  	_ =	sfence.sel $0x180000  }
0x118: {  	[bflag:$0x0] =	sbarrier.arrive $0xFFFF  }
0x119: {  	p0 =	sne.s32 s1, $0x0;
	_ =	strace $0x90000047  }
0x11a: {  	s0 =	sadd.s32 @!p0 $0x100000, s0;
	[bflag:$0x2] =	sbarrier.arrive $0xFFFF  }
0x11b: {  	[sflag:s0] =	ssyncadd.tile.s32 @!p0 $0x1;
	_ =	shalt  }
.Lfunc_end2:
_tile_overlayer_lowered:
.L_overlay_start_2:
0x11c: {  	(tag) =	ssettag $0x2  }
0x11d: {  	s0 =	rddreg [dreg:$0x0];
	s2 =	stileid.u32  }
0x11e: {  	s1 =	rddreg [dreg:$0x1];
	p0 =	sne.s32 s2, $0x0  }
0x11f: {  	s3 =	rddreg [dreg:$0x2];
	[bflag:$0x3] =	sbarrier.arrive $0xFFFF;
	s2 =	simm.s32 @!p0 $0x1C01  }
0x120: {  	[timem:s3], [sflag:s2] =	dma.local @!p0 [hbm:s0], s1  }
0x121: {  	s0 =	simm.s32 @!p0 $0x1  }
0x122: {  	_ =	swait.ge @!p0 [sflag:s0], s1  }
0x123: {  	s1 =	ssub.s32 @!p0 $0x0, s1;
	[sflag:s0] =	ssyncset.done @!p0 $0x0  }
0x124: {  	[sflag:s0] =	ssyncadd.s32 @!p0 s1  }
0x125: {  	[bflag:$0x3] =	sbarrier.arrive $0xFFFF  }
0x126: {  	_ =	shalt  }

</sc_bundles>
